<compile_context>
chip_gen: v7x
topology: tpu7x:2x2x1
jax: 0.10.2.dev20260603
libtpu: 0.0.44.dev20260713+nightly
codegen_flags: <defaults>
</compile_context>

<pallas_src>
import jax
import jax.numpy as jnp
from jax import lax
from jax.experimental import pallas as pl
from jax.experimental.pallas import tpu as pltpu
from jax.experimental.pallas import tpu_sc as plsc

NSEG = 32
N = 320000
D = 128
L = 16
NC, NS = 2, 16
NW = NC * NS
ROWS_W = N // NW
CHUNK = 400
NCHUNK = ROWS_W // CHUNK
DSL = D // L

_mesh = plsc.VectorSubcoreMesh(
    core_axis_name="c", subcore_axis_name="s", num_cores=NC, num_subcores=NS
)


def _sc_body(data_hbm, bid_hbm, sums_hbm, cnts_hbm, data_v, bid_v, acc_tab, cnt_tab):
    wid = lax.axis_index("s") * NC + lax.axis_index("c")
    w0 = wid * ROWS_W
    lanes = lax.iota(jnp.int32, L)
    zf = jnp.zeros((L,), jnp.float32)
    lane0 = lanes == 0

    def _zero(i, _):
        acc_tab[pl.ds(i * L, L)] = zf
        return 0

    lax.fori_loop(0, NSEG * D // L, _zero, 0)
    cnt_tab[pl.ds(0, L)] = zf
    cnt_tab[pl.ds(L, L)] = zf

    pltpu.sync_copy(bid_hbm.at[pl.ds(w0, ROWS_W)], bid_v)


    def _flush(cur, cnt, acc):
        for j in range(DSL):
            idx = cur * D + j * L + lanes
            plsc.addupdate_scatter(acc_tab, [idx], acc[j])
        cidx = jnp.zeros((L,), jnp.int32) + cur
        plsc.addupdate_scatter(cnt_tab, [cidx], zf + cnt, mask=lane0)

    zeros_acc = tuple(jnp.zeros((L,), jnp.float32) for _ in range(DSL))
    zero_cnt = jnp.zeros((), jnp.float32)

    def _chunk_body(c, carry):
        cur, cnt, acc = carry
        pltpu.sync_copy(
            data_hbm.at[pl.ds((w0 + c * CHUNK) * D, CHUNK * D)], data_v
        )
        first = bid_v[pl.ds(c * CHUNK, L)][0]
        last = bid_v[pl.ds(c * CHUNK + CHUNK - L, L)][L - 1]
        uniform = first == last
        cont = jnp.logical_and(uniform, first == cur)

        @pl.when(jnp.logical_not(cont))
        def _():
            _flush(cur, cnt, acc)

        keep = jnp.where(cont, 1.0, 0.0).astype(jnp.float32)
        acc = tuple(a * keep for a in acc)
        cnt = cnt * keep

        def _row(r, acc):
            base = r * D
            return tuple(
                acc[j] + data_v[pl.ds(base + j * L, L)] for j in range(DSL)
            )

        acc = lax.fori_loop(0, CHUNK, _row, acc)
        cnt = cnt + jnp.float32(CHUNK)

        @pl.when(jnp.logical_not(uniform))
        def _():
            def _group(g, _):
                b16 = bid_v[pl.ds(c * CHUNK + g * L, L)]
                for r in range(L):
                    s_r = b16[r]
                    base = (g * L + r) * D
                    for j in range(DSL):
                        idx = s_r * D + j * L + lanes
                        plsc.addupdate_scatter(
                            acc_tab, [idx], data_v[pl.ds(base + j * L, L)]
                        )
                    plsc.addupdate_scatter(
                        cnt_tab,
                        [jnp.zeros((L,), jnp.int32) + s_r],
                        zf + 1.0,
                        mask=lane0,
                    )
                return 0

            lax.fori_loop(0, CHUNK // L, _group, 0)

        uf = jnp.where(uniform, 1.0, 0.0).astype(jnp.float32)
        acc = tuple(a * uf for a in acc)
        cnt = cnt * uf
        cur = jnp.where(uniform, first, last)
        return (cur, cnt, acc)

    cur0 = bid_v[pl.ds(0, L)][0]
    cur, cnt, acc = lax.fori_loop(
        0, NCHUNK, _chunk_body, (cur0, zero_cnt, zeros_acc)
    )
    _flush(cur, cnt, acc)

    pltpu.sync_copy(acc_tab, sums_hbm.at[wid])
    pltpu.sync_copy(cnt_tab, cnts_hbm.at[wid])


_sc_call = pl.kernel(
    _sc_body,
    out_type=(
        jax.ShapeDtypeStruct((NW, NSEG * D), jnp.float32),
        jax.ShapeDtypeStruct((NW, NSEG), jnp.float32),
    ),
    mesh=_mesh,
    compiler_params=pltpu.CompilerParams(needs_layout_passes=False),
    scratch_types=(
        pltpu.VMEM((CHUNK * D,), jnp.float32),
        pltpu.VMEM((ROWS_W,), jnp.int32),
        pltpu.VMEM((NSEG * D,), jnp.float32),
        pltpu.VMEM((NSEG,), jnp.float32),
    ),
)


def _combine_body(sums_ref, cnts_ref, out_ref):
    s = jnp.sum(sums_ref[...], axis=0).reshape(NSEG, D)
    c = jnp.sum(cnts_ref[...], axis=0).reshape(NSEG, 1)
    out_ref[...] = s / jnp.maximum(c, 1.0)


_combine = pl.pallas_call(
    _combine_body,
    out_shape=jax.ShapeDtypeStruct((NSEG, D), jnp.float32),
)


def kernel(data, batch_id, depth):
    sums, cnts = _sc_call(data.reshape(-1), batch_id)
    return _combine(sums, cnts)

# --- scband reference (transcript-rebuilt; emitter-appended) ---
"""Pipeline reference for scband-octree-global-pool-72808285602331 (READ-ONLY COPY).

The authoritative reference and input builder live on the scoring server;
editing this copy changes nothing except your own understanding.
"""

import jax, jax.numpy as jnp
import numpy as np

BATCH_SIZE = 32
N = 320000
D = 128

def setup_inputs(seed: int = 0) -> dict:
    key = jax.random.key(seed)
    k1, k2 = jax.random.split(key)
    data = jax.random.normal(k1, (N, D), dtype=jnp.float32)
    batch_id = jnp.sort(jax.random.randint(k2, (N,), 0, BATCH_SIZE, dtype=jnp.int32))
    return {"data": data, "batch_id": batch_id, "depth": 6}

def reference(data, batch_id, depth):
    # octree_global_pool: scatter-add features by batch_id, divide by per-batch node count
    ones = jnp.ones((data.shape[0], 1), dtype=data.dtype)
    count = jax.ops.segment_sum(ones, batch_id, num_segments=BATCH_SIZE)
    count = jnp.where(count < 1.0, 1.0, count)
    out = jax.ops.segment_sum(data, batch_id, num_segments=BATCH_SIZE)
    out = out / count
    return out

if __name__ == "__main__":
    import jax
    _d = setup_inputs()
    print(jax.jit(kernel)(*tuple(_d.values())))

</pallas_src>

<mosaic_0001>
#map = affine_map<(d0, d1) -> (0)>
#map1 = affine_map<(d0, d1) -> (0, 0)>
module attributes {stable_mosaic.version = 14 : i64} {
  func.func @_sc_body(%arg0: i32, %arg1: i32, %arg2: memref<40960000xf32, #tpu.memory_space<hbm>>, %arg3: memref<320000xi32, #tpu.memory_space<hbm>>, %arg4: memref<32x4096xf32, #tpu.memory_space<hbm>>, %arg5: memref<32x32xf32, #tpu.memory_space<hbm>>, %arg6: memref<51200xf32, #tpu.memory_space<vmem>>, %arg7: memref<10000xi32, #tpu.memory_space<vmem>>, %arg8: memref<4096xf32, #tpu.memory_space<vmem>>, %arg9: memref<32xf32, #tpu.memory_space<vmem>>) attributes {dimension_semantics = [#tpu.dimension_semantics<core_parallel>, #tpu.dimension_semantics<subcore_parallel>], iteration_bounds = array<i64: 2, 16>, scalar_prefetch = 0 : i64, scratch_operands = 4 : i64, tpu.core_type = #tpu.core_type<sc_vector_subcore>, window_params = [{transform_indices = #map}, {transform_indices = #map}, {transform_indices = #map1}, {transform_indices = #map1}]} {
    %mul3A = arith.constant 2 : i32
    %mul3A_0 = arith.muli %arg1, %mul3A : i32
    %add3A = arith.addi %mul3A_0, %arg0 : i32
    %mul3A_1 = arith.constant 10000 : i32
    %mul3A_2 = arith.muli %add3A, %mul3A_1 : i32
    %iota3A = tpu.iota {dimensions = array<i32: 0>} : vector<16xi32>
    %broadcast_in_dim3A = arith.constant 0.000000e+00 : f32
    %broadcast_in_dim3A_3 = vector.broadcast %broadcast_in_dim3A : f32 to vector<16xf32>
    %eq3A = arith.constant 0 : i32
    %eq3A_4 = vector.broadcast %eq3A : i32 to vector<16xi32>
    %eq3A_5 = arith.cmpi eq, %iota3A, %eq3A_4 : vector<16xi32>
    %scan3A = arith.constant 0 : i32
    %scan3A_6 = arith.constant 0 : i32
    %scan3A_7 = arith.constant 256 : i32
    %scan3A_8 = arith.addi %scan3A_6, %scan3A_7 : i32
    %scan3A_9 = arith.constant 1 : i32
    %scan3A_10 = scf.for %scan3A_93 = %scan3A_6 to %scan3A_8 step %scan3A_9 iter_args(%scan3A_94 = %scan3A) -> (i32)  : i32 {
      %mul3A_95 = arith.constant 16 : i32
      %mul3A_96 = arith.muli %scan3A_93, %mul3A_95 : i32
      %swap3A_97 = arith.index_cast %mul3A_96 : i32 to index
      %swap3A_98 = tpu.vector_load %arg8[%swap3A_97] {strides = array<i32>} : memref<4096xf32, #tpu.memory_space<vmem>>, vector<16xf32>,
      tpu.vector_store %arg8[%swap3A_97], %broadcast_in_dim3A_3 {strides = array<i32>} : memref<4096xf32, #tpu.memory_space<vmem>>, vector<16xf32>,
      %scan3A_99 = arith.constant 0 : i32
      scf.yield %scan3A_99 : i32
    }
    %scan3A_11 = arith.constant 256 : i32
    %swap3A = arith.constant 0 : index
    %swap3A_12 = tpu.vector_load %arg9[%swap3A] {strides = array<i32>} : memref<32xf32, #tpu.memory_space<vmem>>, vector<16xf32>,
    tpu.vector_store %arg9[%swap3A], %broadcast_in_dim3A_3 {strides = array<i32>} : memref<32xf32, #tpu.memory_space<vmem>>, vector<16xf32>,
    %swap3A_13 = arith.constant 16 : index
    %swap3A_14 = tpu.vector_load %arg9[%swap3A_13] {strides = array<i32>} : memref<32xf32, #tpu.memory_space<vmem>>, vector<16xf32>,
    tpu.vector_store %arg9[%swap3A_13], %broadcast_in_dim3A_3 {strides = array<i32>} : memref<32xf32, #tpu.memory_space<vmem>>, vector<16xf32>,
    "tpu.region"() ({
      %run_scoped3A = tpu.sem_alloc : memref<!tpu.dma_semaphore, #tpu.memory_space<semaphore_mem>>
      %dma_start3A = tpu.memref_slice %arg3[%mul3A_2] : memref<320000xi32, #tpu.memory_space<hbm>> -> memref<10000xi32, #tpu.memory_space<hbm>>
      %dma_start3A_93 = tpu.memref_slice %arg3[%mul3A_2] : memref<320000xi32, #tpu.memory_space<hbm>> -> memref<10000xi32, #tpu.memory_space<hbm>>
      tpu.enqueue_dma source(%dma_start3A_93 : memref<10000xi32, #tpu.memory_space<hbm>>) target(%arg7 : memref<10000xi32, #tpu.memory_space<vmem>>) target_semaphore(%run_scoped3A : memref<!tpu.dma_semaphore, #tpu.memory_space<semaphore_mem>>)
      %dma_wait3A = tpu.memref_slice %arg3[%mul3A_2] : memref<320000xi32, #tpu.memory_space<hbm>> -> memref<10000xi32, #tpu.memory_space<hbm>>
      %dma_wait3A_94 = tpu.memref_slice %arg3[%mul3A_2] : memref<320000xi32, #tpu.memory_space<hbm>> -> memref<10000xi32, #tpu.memory_space<hbm>>
      tpu.wait_dma2 semaphore(%run_scoped3A : memref<!tpu.dma_semaphore, #tpu.memory_space<semaphore_mem>>) src(%dma_wait3A_94 : memref<10000xi32, #tpu.memory_space<hbm>>) dst(%arg7 : memref<10000xi32, #tpu.memory_space<vmem>>)
      tpu.yield
    }) : () -> ()
    %broadcast_in_dim3A_15 = arith.constant 0.000000e+00 : f32
    %broadcast_in_dim3A_16 = vector.broadcast %broadcast_in_dim3A_15 : f32 to vector<16xf32>
    %broadcast_in_dim3A_17 = arith.constant 0.000000e+00 : f32
    %broadcast_in_dim3A_18 = vector.broadcast %broadcast_in_dim3A_17 : f32 to vector<16xf32>
    %broadcast_in_dim3A_19 = arith.constant 0.000000e+00 : f32
    %broadcast_in_dim3A_20 = vector.broadcast %broadcast_in_dim3A_19 : f32 to vector<16xf32>
    %broadcast_in_dim3A_21 = arith.constant 0.000000e+00 : f32
    %broadcast_in_dim3A_22 = vector.broadcast %broadcast_in_dim3A_21 : f32 to vector<16xf32>
    %broadcast_in_dim3A_23 = arith.constant 0.000000e+00 : f32
    %broadcast_in_dim3A_24 = vector.broadcast %broadcast_in_dim3A_23 : f32 to vector<16xf32>
    %broadcast_in_dim3A_25 = arith.constant 0.000000e+00 : f32
    %broadcast_in_dim3A_26 = vector.broadcast %broadcast_in_dim3A_25 : f32 to vector<16xf32>
    %broadcast_in_dim3A_27 = arith.constant 0.000000e+00 : f32
    %broadcast_in_dim3A_28 = vector.broadcast %broadcast_in_dim3A_27 : f32 to vector<16xf32>
    %broadcast_in_dim3A_29 = arith.constant 0.000000e+00 : f32
    %broadcast_in_dim3A_30 = vector.broadcast %broadcast_in_dim3A_29 : f32 to vector<16xf32>
    %get3A = arith.constant 0 : index
    %get3A_31 = tpu.vector_load %arg7[%get3A] {strides = array<i32>} : memref<10000xi32, #tpu.memory_space<vmem>>, vector<16xi32>,
    %slice3A = vector.extract_strided_slice %get3A_31 {offsets = [0], sizes = [1], strides = [1]} : vector<16xi32> to vector<1xi32>
    %squeeze3A = vector.extract %slice3A[0] : i32 from vector<1xi32>
    %scan3A_32 = arith.constant 0.000000e+00 : f32
    %scan3A_33 = arith.constant 0 : i32
    %scan3A_34 = arith.constant 25 : i32
    %scan3A_35 = arith.addi %scan3A_33, %scan3A_34 : i32
    %scan3A_36 = arith.constant 1 : i32
    %scan3A_37:10 = scf.for %scan3A_93 = %scan3A_33 to %scan3A_35 step %scan3A_36 iter_args(%scan3A_94 = %squeeze3A, %scan3A_95 = %scan3A_32, %scan3A_96 = %broadcast_in_dim3A_16, %scan3A_97 = %broadcast_in_dim3A_18, %scan3A_98 = %broadcast_in_dim3A_20, %scan3A_99 = %broadcast_in_dim3A_22, %scan3A_100 = %broadcast_in_dim3A_24, %scan3A_101 = %broadcast_in_dim3A_26, %scan3A_102 = %broadcast_in_dim3A_28, %scan3A_103 = %broadcast_in_dim3A_30) -> (i32, f32, vector<16xf32>, vector<16xf32>, vector<16xf32>, vector<16xf32>, vector<16xf32>, vector<16xf32>, vector<16xf32>, vector<16xf32>)  : i32 {
      %mul3A_104 = arith.constant 400 : i32
      %mul3A_105 = arith.muli %scan3A_93, %mul3A_104 : i32
      %add3A_106 = arith.addi %mul3A_2, %mul3A_105 : i32
      %mul3A_107 = arith.constant 128 : i32
      %mul3A_108 = arith.muli %add3A_106, %mul3A_107 : i32
      "tpu.region"() ({
        %run_scoped3A = tpu.sem_alloc : memref<!tpu.dma_semaphore, #tpu.memory_space<semaphore_mem>>
        %dma_start3A = tpu.memref_slice %arg2[%mul3A_108] : memref<40960000xf32, #tpu.memory_space<hbm>> -> memref<51200xf32, #tpu.memory_space<hbm>>
        %dma_start3A_180 = tpu.memref_slice %arg2[%mul3A_108] : memref<40960000xf32, #tpu.memory_space<hbm>> -> memref<51200xf32, #tpu.memory_space<hbm>>
        tpu.enqueue_dma source(%dma_start3A_180 : memref<51200xf32, #tpu.memory_space<hbm>>) target(%arg6 : memref<51200xf32, #tpu.memory_space<vmem>>) target_semaphore(%run_scoped3A : memref<!tpu.dma_semaphore, #tpu.memory_space<semaphore_mem>>)
        %dma_wait3A = tpu.memref_slice %arg2[%mul3A_108] : memref<40960000xf32, #tpu.memory_space<hbm>> -> memref<51200xf32, #tpu.memory_space<hbm>>
        %dma_wait3A_181 = tpu.memref_slice %arg2[%mul3A_108] : memref<40960000xf32, #tpu.memory_space<hbm>> -> memref<51200xf32, #tpu.memory_space<hbm>>
        tpu.wait_dma2 semaphore(%run_scoped3A : memref<!tpu.dma_semaphore, #tpu.memory_space<semaphore_mem>>) src(%dma_wait3A_181 : memref<51200xf32, #tpu.memory_space<hbm>>) dst(%arg6 : memref<51200xf32, #tpu.memory_space<vmem>>)
        tpu.yield
      }) : () -> ()
      %mul3A_109 = arith.constant 400 : i32
      %mul3A_110 = arith.muli %scan3A_93, %mul3A_109 : i32
      %get3A_111 = arith.index_cast %mul3A_110 : i32 to index
      %get3A_112 = tpu.vector_load %arg7[%get3A_111] {strides = array<i32>} : memref<10000xi32, #tpu.memory_space<vmem>>, vector<16xi32>,
      %slice3A_113 = vector.extract_strided_slice %get3A_112 {offsets = [0], sizes = [1], strides = [1]} : vector<16xi32> to vector<1xi32>
      %squeeze3A_114 = vector.extract %slice3A_113[0] : i32 from vector<1xi32>
      %mul3A_115 = arith.constant 400 : i32
      %mul3A_116 = arith.muli %scan3A_93, %mul3A_115 : i32
      %add3A_117 = arith.constant 400 : i32
      %add3A_118 = arith.addi %mul3A_116, %add3A_117 : i32
      %sub3A = arith.constant 16 : i32
      %sub3A_119 = arith.subi %add3A_118, %sub3A : i32
      %get3A_120 = arith.index_cast %sub3A_119 : i32 to index
      %get3A_121 = tpu.vector_load %arg7[%get3A_120] {strides = array<i32>} : memref<10000xi32, #tpu.memory_space<vmem>>, vector<16xi32>,
      %slice3A_122 = vector.extract_strided_slice %get3A_121 {offsets = [15], sizes = [1], strides = [1]} : vector<16xi32> to vector<1xi32>
      %squeeze3A_123 = vector.extract %slice3A_122[0] : i32 from vector<1xi32>
      %eq3A_124 = arith.cmpi eq, %squeeze3A_114, %squeeze3A_123 : i32
      %eq3A_125 = arith.cmpi eq, %squeeze3A_114, %scan3A_94 : i32
      %and3A = arith.andi %eq3A_124, %eq3A_125 : i1
      %not3A = arith.constant true
      %not3A_126 = arith.xori %and3A, %not3A : i1
      %convert_element_type3A = arith.extui %not3A_126 : i1 to i32
      %cond3A = arith.constant 0 : i32
      %cond3A_127 = arith.cmpi ne, %convert_element_type3A, %cond3A : i32
      scf.if %cond3A_127 {
        %mul3A_180 = arith.constant 128 : i32
        %mul3A_181 = arith.muli %scan3A_94, %mul3A_180 : i32
        %add3A_182 = arith.constant 0 : i32
        %add3A_183 = arith.addi %mul3A_181, %add3A_182 : i32
        %add3A_184 = vector.broadcast %add3A_183 : i32 to vector<16xi32>
        %add3A_185 = arith.addi %add3A_184, %iota3A : vector<16xi32>
        tpu.vector_store_idx %arg8[%add3A_185], %scan3A_96 {add = true} : memref<4096xf32, #tpu.memory_space<vmem>>[vector<16xi32>], vector<16xf32>,
        %mul3A_186 = arith.constant 128 : i32
        %mul3A_187 = arith.muli %scan3A_94, %mul3A_186 : i32
        %add3A_188 = arith.constant 16 : i32
        %add3A_189 = arith.addi %mul3A_187, %add3A_188 : i32
        %add3A_190 = vector.broadcast %add3A_189 : i32 to vector<16xi32>
        %add3A_191 = arith.addi %add3A_190, %iota3A : vector<16xi32>
        tpu.vector_store_idx %arg8[%add3A_191], %scan3A_97 {add = true} : memref<4096xf32, #tpu.memory_space<vmem>>[vector<16xi32>], vector<16xf32>,
        %mul3A_192 = arith.constant 128 : i32
        %mul3A_193 = arith.muli %scan3A_94, %mul3A_192 : i32
        %add3A_194 = arith.constant 32 : i32
        %add3A_195 = arith.addi %mul3A_193, %add3A_194 : i32
        %add3A_196 = vector.broadcast %add3A_195 : i32 to vector<16xi32>
        %add3A_197 = arith.addi %add3A_196, %iota3A : vector<16xi32>
        tpu.vector_store_idx %arg8[%add3A_197], %scan3A_98 {add = true} : memref<4096xf32, #tpu.memory_space<vmem>>[vector<16xi32>], vector<16xf32>,
        %mul3A_198 = arith.constant 128 : i32
        %mul3A_199 = arith.muli %scan3A_94, %mul3A_198 : i32
        %add3A_200 = arith.constant 48 : i32
        %add3A_201 = arith.addi %mul3A_199, %add3A_200 : i32
        %add3A_202 = vector.broadcast %add3A_201 : i32 to vector<16xi32>
        %add3A_203 = arith.addi %add3A_202, %iota3A : vector<16xi32>
        tpu.vector_store_idx %arg8[%add3A_203], %scan3A_99 {add = true} : memref<4096xf32, #tpu.memory_space<vmem>>[vector<16xi32>], vector<16xf32>,
        %mul3A_204 = arith.constant 128 : i32
        %mul3A_205 = arith.muli %scan3A_94, %mul3A_204 : i32
        %add3A_206 = arith.constant 64 : i32
        %add3A_207 = arith.addi %mul3A_205, %add3A_206 : i32
        %add3A_208 = vector.broadcast %add3A_207 : i32 to vector<16xi32>
        %add3A_209 = arith.addi %add3A_208, %iota3A : vector<16xi32>
        tpu.vector_store_idx %arg8[%add3A_209], %scan3A_100 {add = true} : memref<4096xf32, #tpu.memory_space<vmem>>[vector<16xi32>], vector<16xf32>,
        %mul3A_210 = arith.constant 128 : i32
        %mul3A_211 = arith.muli %scan3A_94, %mul3A_210 : i32
        %add3A_212 = arith.constant 80 : i32
        %add3A_213 = arith.addi %mul3A_211, %add3A_212 : i32
        %add3A_214 = vector.broadcast %add3A_213 : i32 to vector<16xi32>
        %add3A_215 = arith.addi %add3A_214, %iota3A : vector<16xi32>
        tpu.vector_store_idx %arg8[%add3A_215], %scan3A_101 {add = true} : memref<4096xf32, #tpu.memory_space<vmem>>[vector<16xi32>], vector<16xf32>,
        %mul3A_216 = arith.constant 128 : i32
        %mul3A_217 = arith.muli %scan3A_94, %mul3A_216 : i32
        %add3A_218 = arith.constant 96 : i32
        %add3A_219 = arith.addi %mul3A_217, %add3A_218 : i32
        %add3A_220 = vector.broadcast %add3A_219 : i32 to vector<16xi32>
        %add3A_221 = arith.addi %add3A_220, %iota3A : vector<16xi32>
        tpu.vector_store_idx %arg8[%add3A_221], %scan3A_102 {add = true} : memref<4096xf32, #tpu.memory_space<vmem>>[vector<16xi32>], vector<16xf32>,
        %mul3A_222 = arith.constant 128 : i32
        %mul3A_223 = arith.muli %scan3A_94, %mul3A_222 : i32
        %add3A_224 = arith.constant 112 : i32
        %add3A_225 = arith.addi %mul3A_223, %add3A_224 : i32
        %add3A_226 = vector.broadcast %add3A_225 : i32 to vector<16xi32>
        %add3A_227 = arith.addi %add3A_226, %iota3A : vector<16xi32>
        tpu.vector_store_idx %arg8[%add3A_227], %scan3A_103 {add = true} : memref<4096xf32, #tpu.memory_space<vmem>>[vector<16xi32>], vector<16xf32>,
        %broadcast_in_dim3A_228 = arith.constant 0 : i32
        %broadcast_in_dim3A_229 = vector.broadcast %broadcast_in_dim3A_228 : i32 to vector<16xi32>
        %add3A_230 = vector.broadcast %scan3A_94 : i32 to vector<16xi32>
        %add3A_231 = arith.addi %broadcast_in_dim3A_229, %add3A_230 : vector<16xi32>
        %add3A_232 = vector.broadcast %scan3A_95 : f32 to vector<16xf32>
        %add3A_233 = arith.addf %broadcast_in_dim3A_3, %add3A_232 : vector<16xf32>
        tpu.vector_store_idx %arg9[%add3A_231], %add3A_233 masked %eq3A_5 {add = true} : memref<32xf32, #tpu.memory_space<vmem>>[vector<16xi32>], vector<16xf32>, vector<16xi1>
      } else {
      }
      %jit3A = arith.constant 1.000000e+00 : f32
      %jit3A_128 = arith.constant 0.000000e+00 : f32
      %select_n3A = arith.select %and3A, %jit3A, %jit3A_128 : f32
      %mul3A_129 = vector.broadcast %select_n3A : f32 to vector<16xf32>
      %mul3A_130 = arith.mulf %scan3A_96, %mul3A_129 : vector<16xf32>
      %mul3A_131 = vector.broadcast %select_n3A : f32 to vector<16xf32>
      %mul3A_132 = arith.mulf %scan3A_97, %mul3A_131 : vector<16xf32>
      %mul3A_133 = vector.broadcast %select_n3A : f32 to vector<16xf32>
      %mul3A_134 = arith.mulf %scan3A_98, %mul3A_133 : vector<16xf32>
      %mul3A_135 = vector.broadcast %select_n3A : f32 to vector<16xf32>
      %mul3A_136 = arith.mulf %scan3A_99, %mul3A_135 : vector<16xf32>
      %mul3A_137 = vector.broadcast %select_n3A : f32 to vector<16xf32>
      %mul3A_138 = arith.mulf %scan3A_100, %mul3A_137 : vector<16xf32>
      %mul3A_139 = vector.broadcast %select_n3A : f32 to vector<16xf32>
      %mul3A_140 = arith.mulf %scan3A_101, %mul3A_139 : vector<16xf32>
      %mul3A_141 = vector.broadcast %select_n3A : f32 to vector<16xf32>
      %mul3A_142 = arith.mulf %scan3A_102, %mul3A_141 : vector<16xf32>
      %mul3A_143 = vector.broadcast %select_n3A : f32 to vector<16xf32>
      %mul3A_144 = arith.mulf %scan3A_103, %mul3A_143 : vector<16xf32>
      %mul3A_145 = arith.mulf %scan3A_95, %select_n3A : f32
      %scan3A_146 = arith.constant 0 : i32
      %scan3A_147 = arith.constant 400 : i32
      %scan3A_148 = arith.addi %scan3A_146, %scan3A_147 : i32
      %scan3A_149 = arith.constant 1 : i32
      %scan3A_150:8 = scf.for %scan3A_180 = %scan3A_146 to %scan3A_148 step %scan3A_149 iter_args(%scan3A_181 = %mul3A_130, %scan3A_182 = %mul3A_132, %scan3A_183 = %mul3A_134, %scan3A_184 = %mul3A_136, %scan3A_185 = %mul3A_138, %scan3A_186 = %mul3A_140, %scan3A_187 = %mul3A_142, %scan3A_188 = %mul3A_144) -> (vector<16xf32>, vector<16xf32>, vector<16xf32>, vector<16xf32>, vector<16xf32>, vector<16xf32>, vector<16xf32>, vector<16xf32>)  : i32 {
        %mul3A_189 = arith.constant 128 : i32
        %mul3A_190 = arith.muli %scan3A_180, %mul3A_189 : i32
        %add3A_191 = arith.constant 0 : i32
        %add3A_192 = arith.addi %mul3A_190, %add3A_191 : i32
        %get3A_193 = arith.index_cast %add3A_192 : i32 to index
        %get3A_194 = tpu.vector_load %arg6[%get3A_193] {strides = array<i32>} : memref<51200xf32, #tpu.memory_space<vmem>>, vector<16xf32>,
        %add3A_195 = arith.addf %scan3A_181, %get3A_194 : vector<16xf32>
        %add3A_196 = arith.constant 16 : i32
        %add3A_197 = arith.addi %mul3A_190, %add3A_196 : i32
        %get3A_198 = arith.index_cast %add3A_197 : i32 to index
        %get3A_199 = tpu.vector_load %arg6[%get3A_198] {strides = array<i32>} : memref<51200xf32, #tpu.memory_space<vmem>>, vector<16xf32>,
        %add3A_200 = arith.addf %scan3A_182, %get3A_199 : vector<16xf32>
        %add3A_201 = arith.constant 32 : i32
        %add3A_202 = arith.addi %mul3A_190, %add3A_201 : i32
        %get3A_203 = arith.index_cast %add3A_202 : i32 to index
        %get3A_204 = tpu.vector_load %arg6[%get3A_203] {strides = array<i32>} : memref<51200xf32, #tpu.memory_space<vmem>>, vector<16xf32>,
        %add3A_205 = arith.addf %scan3A_183, %get3A_204 : vector<16xf32>
        %add3A_206 = arith.constant 48 : i32
        %add3A_207 = arith.addi %mul3A_190, %add3A_206 : i32
        %get3A_208 = arith.index_cast %add3A_207 : i32 to index
        %get3A_209 = tpu.vector_load %arg6[%get3A_208] {strides = array<i32>} : memref<51200xf32, #tpu.memory_space<vmem>>, vector<16xf32>,
        %add3A_210 = arith.addf %scan3A_184, %get3A_209 : vector<16xf32>
        %add3A_211 = arith.constant 64 : i32
        %add3A_212 = arith.addi %mul3A_190, %add3A_211 : i32
        %get3A_213 = arith.index_cast %add3A_212 : i32 to index
        %get3A_214 = tpu.vector_load %arg6[%get3A_213] {strides = array<i32>} : memref<51200xf32, #tpu.memory_space<vmem>>, vector<16xf32>,
        %add3A_215 = arith.addf %scan3A_185, %get3A_214 : vector<16xf32>
        %add3A_216 = arith.constant 80 : i32
        %add3A_217 = arith.addi %mul3A_190, %add3A_216 : i32
        %get3A_218 = arith.index_cast %add3A_217 : i32 to index
        %get3A_219 = tpu.vector_load %arg6[%get3A_218] {strides = array<i32>} : memref<51200xf32, #tpu.memory_space<vmem>>, vector<16xf32>,
        %add3A_220 = arith.addf %scan3A_186, %get3A_219 : vector<16xf32>
        %add3A_221 = arith.constant 96 : i32
        %add3A_222 = arith.addi %mul3A_190, %add3A_221 : i32
        %get3A_223 = arith.index_cast %add3A_222 : i32 to index
        %get3A_224 = tpu.vector_load %arg6[%get3A_223] {strides = array<i32>} : memref<51200xf32, #tpu.memory_space<vmem>>, vector<16xf32>,
        %add3A_225 = arith.addf %scan3A_187, %get3A_224 : vector<16xf32>
        %add3A_226 = arith.constant 112 : i32
        %add3A_227 = arith.addi %mul3A_190, %add3A_226 : i32
        %get3A_228 = arith.index_cast %add3A_227 : i32 to index
        %get3A_229 = tpu.vector_load %arg6[%get3A_228] {strides = array<i32>} : memref<51200xf32, #tpu.memory_space<vmem>>, vector<16xf32>,
        %add3A_230 = arith.addf %scan3A_188, %get3A_229 : vector<16xf32>
        scf.yield %add3A_195, %add3A_200, %add3A_205, %add3A_210, %add3A_215, %add3A_220, %add3A_225, %add3A_230 : vector<16xf32>, vector<16xf32>, vector<16xf32>, vector<16xf32>, vector<16xf32>, vector<16xf32>, vector<16xf32>, vector<16xf32>
      }
      %scan3A_151 = arith.constant 400 : i32
      %add3A_152 = arith.constant 4.000000e+02 : f32
      %add3A_153 = arith.addf %mul3A_145, %add3A_152 : f32
      %not3A_154 = arith.constant true
      %not3A_155 = arith.xori %eq3A_124, %not3A_154 : i1
      %convert_element_type3A_156 = arith.extui %not3A_155 : i1 to i32
      %cond3A_157 = arith.constant 0 : i32
      %cond3A_158 = arith.cmpi ne, %convert_element_type3A_156, %cond3A_157 : i32
      scf.if %cond3A_158 {
        %scan3A_180 = arith.constant 0 : i32
        %scan3A_181 = arith.constant 0 : i32
        %scan3A_182 = arith.constant 25 : i32
        %scan3A_183 = arith.addi %scan3A_181, %scan3A_182 : i32
        %scan3A_184 = arith.constant 1 : i32
        %scan3A_185 = scf.for %scan3A_187 = %scan3A_181 to %scan3A_183 step %scan3A_184 iter_args(%scan3A_188 = %scan3A_180) -> (i32)  : i32 {
          %mul3A_189 = arith.constant 400 : i32
          %mul3A_190 = arith.muli %scan3A_93, %mul3A_189 : i32
          %mul3A_191 = arith.constant 16 : i32
          %mul3A_192 = arith.muli %scan3A_187, %mul3A_191 : i32
          %add3A_193 = arith.addi %mul3A_190, %mul3A_192 : i32
          %get3A_194 = arith.index_cast %add3A_193 : i32 to index
          %get3A_195 = tpu.vector_load %arg7[%get3A_194] {strides = array<i32>} : memref<10000xi32, #tpu.memory_space<vmem>>, vector<16xi32>,
          %slice3A_196 = vector.extract_strided_slice %get3A_195 {offsets = [0], sizes = [1], strides = [1]} : vector<16xi32> to vector<1xi32>
          %squeeze3A_197 = vector.extract %slice3A_196[0] : i32 from vector<1xi32>
          %mul3A_198 = arith.constant 16 : i32
          %mul3A_199 = arith.muli %scan3A_187, %mul3A_198 : i32
          %add3A_200 = arith.constant 0 : i32
          %add3A_201 = arith.addi %mul3A_199, %add3A_200 : i32
          %mul3A_202 = arith.constant 128 : i32
          %mul3A_203 = arith.muli %add3A_201, %mul3A_202 : i32
          %mul3A_204 = arith.constant 128 : i32
          %mul3A_205 = arith.muli %squeeze3A_197, %mul3A_204 : i32
          %add3A_206 = arith.constant 0 : i32
          %add3A_207 = arith.addi %mul3A_205, %add3A_206 : i32
          %add3A_208 = vector.broadcast %add3A_207 : i32 to vector<16xi32>
          %add3A_209 = arith.addi %add3A_208, %iota3A : vector<16xi32>
          %add3A_210 = arith.constant 0 : i32
          %add3A_211 = arith.addi %mul3A_203, %add3A_210 : i32
          %get3A_212 = arith.index_cast %add3A_211 : i32 to index
          %get3A_213 = tpu.vector_load %arg6[%get3A_212] {strides = array<i32>} : memref<51200xf32, #tpu.memory_space<vmem>>, vector<16xf32>,
          tpu.vector_store_idx %arg8[%add3A_209], %get3A_213 {add = true} : memref<4096xf32, #tpu.memory_space<vmem>>[vector<16xi32>], vector<16xf32>,
          %mul3A_214 = arith.constant 128 : i32
          %mul3A_215 = arith.muli %squeeze3A_197, %mul3A_214 : i32
          %add3A_216 = arith.constant 16 : i32
          %add3A_217 = arith.addi %mul3A_215, %add3A_216 : i32
          %add3A_218 = vector.broadcast %add3A_217 : i32 to vector<16xi32>
          %add3A_219 = arith.addi %add3A_218, %iota3A : vector<16xi32>
          %add3A_220 = arith.constant 16 : i32
          %add3A_221 = arith.addi %mul3A_203, %add3A_220 : i32
          %get3A_222 = arith.index_cast %add3A_221 : i32 to index
          %get3A_223 = tpu.vector_load %arg6[%get3A_222] {strides = array<i32>} : memref<51200xf32, #tpu.memory_space<vmem>>, vector<16xf32>,
          tpu.vector_store_idx %arg8[%add3A_219], %get3A_223 {add = true} : memref<4096xf32, #tpu.memory_space<vmem>>[vector<16xi32>], vector<16xf32>,
          %mul3A_224 = arith.constant 128 : i32
          %mul3A_225 = arith.muli %squeeze3A_197, %mul3A_224 : i32
          %add3A_226 = arith.constant 32 : i32
          %add3A_227 = arith.addi %mul3A_225, %add3A_226 : i32
          %add3A_228 = vector.broadcast %add3A_227 : i32 to vector<16xi32>
          %add3A_229 = arith.addi %add3A_228, %iota3A : vector<16xi32>
          %add3A_230 = arith.constant 32 : i32
          %add3A_231 = arith.addi %mul3A_203, %add3A_230 : i32
          %get3A_232 = arith.index_cast %add3A_231 : i32 to index
          %get3A_233 = tpu.vector_load %arg6[%get3A_232] {strides = array<i32>} : memref<51200xf32, #tpu.memory_space<vmem>>, vector<16xf32>,
          tpu.vector_store_idx %arg8[%add3A_229], %get3A_233 {add = true} : memref<4096xf32, #tpu.memory_space<vmem>>[vector<16xi32>], vector<16xf32>,
          %mul3A_234 = arith.constant 128 : i32
          %mul3A_235 = arith.muli %squeeze3A_197, %mul3A_234 : i32
          %add3A_236 = arith.constant 48 : i32
          %add3A_237 = arith.addi %mul3A_235, %add3A_236 : i32
          %add3A_238 = vector.broadcast %add3A_237 : i32 to vector<16xi32>
          %add3A_239 = arith.addi %add3A_238, %iota3A : vector<16xi32>
          %add3A_240 = arith.constant 48 : i32
          %add3A_241 = arith.addi %mul3A_203, %add3A_240 : i32
          %get3A_242 = arith.index_cast %add3A_241 : i32 to index
          %get3A_243 = tpu.vector_load %arg6[%get3A_242] {strides = array<i32>} : memref<51200xf32, #tpu.memory_space<vmem>>, vector<16xf32>,
          tpu.vector_store_idx %arg8[%add3A_239], %get3A_243 {add = true} : memref<4096xf32, #tpu.memory_space<vmem>>[vector<16xi32>], vector<16xf32>,
          %mul3A_244 = arith.constant 128 : i32
          %mul3A_245 = arith.muli %squeeze3A_197, %mul3A_244 : i32
          %add3A_246 = arith.constant 64 : i32
          %add3A_247 = arith.addi %mul3A_245, %add3A_246 : i32
          %add3A_248 = vector.broadcast %add3A_247 : i32 to vector<16xi32>
          %add3A_249 = arith.addi %add3A_248, %iota3A : vector<16xi32>
          %add3A_250 = arith.constant 64 : i32
          %add3A_251 = arith.addi %mul3A_203, %add3A_250 : i32
          %get3A_252 = arith.index_cast %add3A_251 : i32 to index
          %get3A_253 = tpu.vector_load %arg6[%get3A_252] {strides = array<i32>} : memref<51200xf32, #tpu.memory_space<vmem>>, vector<16xf32>,
          tpu.vector_store_idx %arg8[%add3A_249], %get3A_253 {add = true} : memref<4096xf32, #tpu.memory_space<vmem>>[vector<16xi32>], vector<16xf32>,
          %mul3A_254 = arith.constant 128 : i32
          %mul3A_255 = arith.muli %squeeze3A_197, %mul3A_254 : i32
          %add3A_256 = arith.constant 80 : i32
          %add3A_257 = arith.addi %mul3A_255, %add3A_256 : i32
          %add3A_258 = vector.broadcast %add3A_257 : i32 to vector<16xi32>
          %add3A_259 = arith.addi %add3A_258, %iota3A : vector<16xi32>
          %add3A_260 = arith.constant 80 : i32
          %add3A_261 = arith.addi %mul3A_203, %add3A_260 : i32
          %get3A_262 = arith.index_cast %add3A_261 : i32 to index
          %get3A_263 = tpu.vector_load %arg6[%get3A_262] {strides = array<i32>} : memref<51200xf32, #tpu.memory_space<vmem>>, vector<16xf32>,
          tpu.vector_store_idx %arg8[%add3A_259], %get3A_263 {add = true} : memref<4096xf32, #tpu.memory_space<vmem>>[vector<16xi32>], vector<16xf32>,
          %mul3A_264 = arith.constant 128 : i32
          %mul3A_265 = arith.muli %squeeze3A_197, %mul3A_264 : i32
          %add3A_266 = arith.constant 96 : i32
          %add3A_267 = arith.addi %mul3A_265, %add3A_266 : i32
          %add3A_268 = vector.broadcast %add3A_267 : i32 to vector<16xi32>
          %add3A_269 = arith.addi %add3A_268, %iota3A : vector<16xi32>
          %add3A_270 = arith.constant 96 : i32
          %add3A_271 = arith.addi %mul3A_203, %add3A_270 : i32
          %get3A_272 = arith.index_cast %add3A_271 : i32 to index
          %get3A_273 = tpu.vector_load %arg6[%get3A_272] {strides = array<i32>} : memref<51200xf32, #tpu.memory_space<vmem>>, vector<16xf32>,
          tpu.vector_store_idx %arg8[%add3A_269], %get3A_273 {add = true} : memref<4096xf32, #tpu.memory_space<vmem>>[vector<16xi32>], vector<16xf32>,
          %mul3A_274 = arith.constant 128 : i32
          %mul3A_275 = arith.muli %squeeze3A_197, %mul3A_274 : i32
          %add3A_276 = arith.constant 112 : i32
          %add3A_277 = arith.addi %mul3A_275, %add3A_276 : i32
          %add3A_278 = vector.broadcast %add3A_277 : i32 to vector<16xi32>
          %add3A_279 = arith.addi %add3A_278, %iota3A : vector<16xi32>
          %add3A_280 = arith.constant 112 : i32
          %add3A_281 = arith.addi %mul3A_203, %add3A_280 : i32
          %get3A_282 = arith.index_cast %add3A_281 : i32 to index
          %get3A_283 = tpu.vector_load %arg6[%get3A_282] {strides = array<i32>} : memref<51200xf32, #tpu.memory_space<vmem>>, vector<16xf32>,
          tpu.vector_store_idx %arg8[%add3A_279], %get3A_283 {add = true} : memref<4096xf32, #tpu.memory_space<vmem>>[vector<16xi32>], vector<16xf32>,
          %broadcast_in_dim3A_284 = arith.constant 0 : i32
          %broadcast_in_dim3A_285 = vector.broadcast %broadcast_in_dim3A_284 : i32 to vector<16xi32>
          %add3A_286 = vector.broadcast %squeeze3A_197 : i32 to vector<16xi32>
          %add3A_287 = arith.addi %broadcast_in_dim3A_285, %add3A_286 : vector<16xi32>
          %add3A_288 = arith.constant 1.000000e+00 : f32
          %add3A_289 = vector.broadcast %add3A_288 : f32 to vector<16xf32>
          %add3A_290 = arith.addf %broadcast_in_dim3A_3, %add3A_289 : vector<16xf32>
          tpu.vector_store_idx %arg9[%add3A_287], %add3A_290 masked %eq3A_5 {add = true} : memref<32xf32, #tpu.memory_space<vmem>>[vector<16xi32>], vector<16xf32>, vector<16xi1>
          %slice3A_291 = vector.extract_strided_slice %get3A_195 {offsets = [1], sizes = [1], strides = [1]} : vector<16xi32> to vector<1xi32>
          %squeeze3A_292 = vector.extract %slice3A_291[0] : i32 from vector<1xi32>
          %mul3A_293 = arith.constant 16 : i32
          %mul3A_294 = arith.muli %scan3A_187, %mul3A_293 : i32
          %add3A_295 = arith.constant 1 : i32
          %add3A_296 = arith.addi %mul3A_294, %add3A_295 : i32
          %mul3A_297 = arith.constant 128 : i32
          %mul3A_298 = arith.muli %add3A_296, %mul3A_297 : i32
          %mul3A_299 = arith.constant 128 : i32
          %mul3A_300 = arith.muli %squeeze3A_292, %mul3A_299 : i32
          %add3A_301 = arith.constant 0 : i32
          %add3A_302 = arith.addi %mul3A_300, %add3A_301 : i32
          %add3A_303 = vector.broadcast %add3A_302 : i32 to vector<16xi32>
          %add3A_304 = arith.addi %add3A_303, %iota3A : vector<16xi32>
          %add3A_305 = arith.constant 0 : i32
          %add3A_306 = arith.addi %mul3A_298, %add3A_305 : i32
          %get3A_307 = arith.index_cast %add3A_306 : i32 to index
          %get3A_308 = tpu.vector_load %arg6[%get3A_307] {strides = array<i32>} : memref<51200xf32, #tpu.memory_space<vmem>>, vector<16xf32>,
          tpu.vector_store_idx %arg8[%add3A_304], %get3A_308 {add = true} : memref<4096xf32, #tpu.memory_space<vmem>>[vector<16xi32>], vector<16xf32>,
          %mul3A_309 = arith.constant 128 : i32
          %mul3A_310 = arith.muli %squeeze3A_292, %mul3A_309 : i32
          %add3A_311 = arith.constant 16 : i32
          %add3A_312 = arith.addi %mul3A_310, %add3A_311 : i32
          %add3A_313 = vector.broadcast %add3A_312 : i32 to vector<16xi32>
          %add3A_314 = arith.addi %add3A_313, %iota3A : vector<16xi32>
          %add3A_315 = arith.constant 16 : i32
          %add3A_316 = arith.addi %mul3A_298, %add3A_315 : i32
          %get3A_317 = arith.index_cast %add3A_316 : i32 to index
          %get3A_318 = tpu.vector_load %arg6[%get3A_317] {strides = array<i32>} : memref<51200xf32, #tpu.memory_space<vmem>>, vector<16xf32>,
          tpu.vector_store_idx %arg8[%add3A_314], %get3A_318 {add = true} : memref<4096xf32, #tpu.memory_space<vmem>>[vector<16xi32>], vector<16xf32>,
          %mul3A_319 = arith.constant 128 : i32
          %mul3A_320 = arith.muli %squeeze3A_292, %mul3A_319 : i32
          %add3A_321 = arith.constant 32 : i32
          %add3A_322 = arith.addi %mul3A_320, %add3A_321 : i32
          %add3A_323 = vector.broadcast %add3A_322 : i32 to vector<16xi32>
          %add3A_324 = arith.addi %add3A_323, %iota3A : vector<16xi32>
          %add3A_325 = arith.constant 32 : i32
          %add3A_326 = arith.addi %mul3A_298, %add3A_325 : i32
          %get3A_327 = arith.index_cast %add3A_326 : i32 to index
          %get3A_328 = tpu.vector_load %arg6[%get3A_327] {strides = array<i32>} : memref<51200xf32, #tpu.memory_space<vmem>>, vector<16xf32>,
          tpu.vector_store_idx %arg8[%add3A_324], %get3A_328 {add = true} : memref<4096xf32, #tpu.memory_space<vmem>>[vector<16xi32>], vector<16xf32>,
          %mul3A_329 = arith.constant 128 : i32
          %mul3A_330 = arith.muli %squeeze3A_292, %mul3A_329 : i32
          %add3A_331 = arith.constant 48 : i32
          %add3A_332 = arith.addi %mul3A_330, %add3A_331 : i32
          %add3A_333 = vector.broadcast %add3A_332 : i32 to vector<16xi32>
          %add3A_334 = arith.addi %add3A_333, %iota3A : vector<16xi32>
          %add3A_335 = arith.constant 48 : i32
          %add3A_336 = arith.addi %mul3A_298, %add3A_335 : i32
          %get3A_337 = arith.index_cast %add3A_336 : i32 to index
          %get3A_338 = tpu.vector_load %arg6[%get3A_337] {strides = array<i32>} : memref<51200xf32, #tpu.memory_space<vmem>>, vector<16xf32>,
          tpu.vector_store_idx %arg8[%add3A_334], %get3A_338 {add = true} : memref<4096xf32, #tpu.memory_space<vmem>>[vector<16xi32>], vector<16xf32>,
          %mul3A_339 = arith.constant 128 : i32
          %mul3A_340 = arith.muli %squeeze3A_292, %mul3A_339 : i32
          %add3A_341 = arith.constant 64 : i32
          %add3A_342 = arith.addi %mul3A_340, %add3A_341 : i32
          %add3A_343 = vector.broadcast %add3A_342 : i32 to vector<16xi32>
          %add3A_344 = arith.addi %add3A_343, %iota3A : vector<16xi32>
          %add3A_345 = arith.constant 64 : i32
          %add3A_346 = arith.addi %mul3A_298, %add3A_345 : i32
          %get3A_347 = arith.index_cast %add3A_346 : i32 to index
          %get3A_348 = tpu.vector_load %arg6[%get3A_347] {strides = array<i32>} : memref<51200xf32, #tpu.memory_space<vmem>>, vector<16xf32>,
          tpu.vector_store_idx %arg8[%add3A_344], %get3A_348 {add = true} : memref<4096xf32, #tpu.memory_space<vmem>>[vector<16xi32>], vector<16xf32>,
          %mul3A_349 = arith.constant 128 : i32
          %mul3A_350 = arith.muli %squeeze3A_292, %mul3A_349 : i32
          %add3A_351 = arith.constant 80 : i32
          %add3A_352 = arith.addi %mul3A_350, %add3A_351 : i32
          %add3A_353 = vector.broadcast %add3A_352 : i32 to vector<16xi32>
          %add3A_354 = arith.addi %add3A_353, %iota3A : vector<16xi32>
          %add3A_355 = arith.constant 80 : i32
          %add3A_356 = arith.addi %mul3A_298, %add3A_355 : i32
          %get3A_357 = arith.index_cast %add3A_356 : i32 to index
          %get3A_358 = tpu.vector_load %arg6[%get3A_357] {strides = array<i32>} : memref<51200xf32, #tpu.memory_space<vmem>>, vector<16xf32>,
          tpu.vector_store_idx %arg8[%add3A_354], %get3A_358 {add = true} : memref<4096xf32, #tpu.memory_space<vmem>>[vector<16xi32>], vector<16xf32>,
          %mul3A_359 = arith.constant 128 : i32
          %mul3A_360 = arith.muli %squeeze3A_292, %mul3A_359 : i32
          %add3A_361 = arith.constant 96 : i32
          %add3A_362 = arith.addi %mul3A_360, %add3A_361 : i32
          %add3A_363 = vector.broadcast %add3A_362 : i32 to vector<16xi32>
          %add3A_364 = arith.addi %add3A_363, %iota3A : vector<16xi32>
          %add3A_365 = arith.constant 96 : i32
          %add3A_366 = arith.addi %mul3A_298, %add3A_365 : i32
          %get3A_367 = arith.index_cast %add3A_366 : i32 to index
          %get3A_368 = tpu.vector_load %arg6[%get3A_367] {strides = array<i32>} : memref<51200xf32, #tpu.memory_space<vmem>>, vector<16xf32>,
          tpu.vector_store_idx %arg8[%add3A_364], %get3A_368 {add = true} : memref<4096xf32, #tpu.memory_space<vmem>>[vector<16xi32>], vector<16xf32>,
          %mul3A_369 = arith.constant 128 : i32
          %mul3A_370 = arith.muli %squeeze3A_292, %mul3A_369 : i32
          %add3A_371 = arith.constant 112 : i32
          %add3A_372 = arith.addi %mul3A_370, %add3A_371 : i32
          %add3A_373 = vector.broadcast %add3A_372 : i32 to vector<16xi32>
          %add3A_374 = arith.addi %add3A_373, %iota3A : vector<16xi32>
          %add3A_375 = arith.constant 112 : i32
          %add3A_376 = arith.addi %mul3A_298, %add3A_375 : i32
          %get3A_377 = arith.index_cast %add3A_376 : i32 to index
          %get3A_378 = tpu.vector_load %arg6[%get3A_377] {strides = array<i32>} : memref<51200xf32, #tpu.memory_space<vmem>>, vector<16xf32>,
          tpu.vector_store_idx %arg8[%add3A_374], %get3A_378 {add = true} : memref<4096xf32, #tpu.memory_space<vmem>>[vector<16xi32>], vector<16xf32>,
          %broadcast_in_dim3A_379 = arith.constant 0 : i32
          %broadcast_in_dim3A_380 = vector.broadcast %broadcast_in_dim3A_379 : i32 to vector<16xi32>
          %add3A_381 = vector.broadcast %squeeze3A_292 : i32 to vector<16xi32>
          %add3A_382 = arith.addi %broadcast_in_dim3A_380, %add3A_381 : vector<16xi32>
          %add3A_383 = arith.constant 1.000000e+00 : f32
          %add3A_384 = vector.broadcast %add3A_383 : f32 to vector<16xf32>
          %add3A_385 = arith.addf %broadcast_in_dim3A_3, %add3A_384 : vector<16xf32>
          tpu.vector_store_idx %arg9[%add3A_382], %add3A_385 masked %eq3A_5 {add = true} : memref<32xf32, #tpu.memory_space<vmem>>[vector<16xi32>], vector<16xf32>, vector<16xi1>
          %slice3A_386 = vector.extract_strided_slice %get3A_195 {offsets = [2], sizes = [1], strides = [1]} : vector<16xi32> to vector<1xi32>
          %squeeze3A_387 = vector.extract %slice3A_386[0] : i32 from vector<1xi32>
          %mul3A_388 = arith.constant 16 : i32
          %mul3A_389 = arith.muli %scan3A_187, %mul3A_388 : i32
          %add3A_390 = arith.constant 2 : i32
          %add3A_391 = arith.addi %mul3A_389, %add3A_390 : i32
          %mul3A_392 = arith.constant 128 : i32
          %mul3A_393 = arith.muli %add3A_391, %mul3A_392 : i32
          %mul3A_394 = arith.constant 128 : i32
          %mul3A_395 = arith.muli %squeeze3A_387, %mul3A_394 : i32
          %add3A_396 = arith.constant 0 : i32
          %add3A_397 = arith.addi %mul3A_395, %add3A_396 : i32
          %add3A_398 = vector.broadcast %add3A_397 : i32 to vector<16xi32>
          %add3A_399 = arith.addi %add3A_398, %iota3A : vector<16xi32>
          %add3A_400 = arith.constant 0 : i32
          %add3A_401 = arith.addi %mul3A_393, %add3A_400 : i32
          %get3A_402 = arith.index_cast %add3A_401 : i32 to index
          %get3A_403 = tpu.vector_load %arg6[%get3A_402] {strides = array<i32>} : memref<51200xf32, #tpu.memory_space<vmem>>, vector<16xf32>,
          tpu.vector_store_idx %arg8[%add3A_399], %get3A_403 {add = true} : memref<4096xf32, #tpu.memory_space<vmem>>[vector<16xi32>], vector<16xf32>,
          %mul3A_404 = arith.constant 128 : i32
          %mul3A_405 = arith.muli %squeeze3A_387, %mul3A_404 : i32
          %add3A_406 = arith.constant 16 : i32
          %add3A_407 = arith.addi %mul3A_405, %add3A_406 : i32
          %add3A_408 = vector.broadcast %add3A_407 : i32 to vector<16xi32>
          %add3A_409 = arith.addi %add3A_408, %iota3A : vector<16xi32>
          %add3A_410 = arith.constant 16 : i32
          %add3A_411 = arith.addi %mul3A_393, %add3A_410 : i32
          %get3A_412 = arith.index_cast %add3A_411 : i32 to index
          %get3A_413 = tpu.vector_load %arg6[%get3A_412] {strides = array<i32>} : memref<51200xf32, #tpu.memory_space<vmem>>, vector<16xf32>,
          tpu.vector_store_idx %arg8[%add3A_409], %get3A_413 {add = true} : memref<4096xf32, #tpu.memory_space<vmem>>[vector<16xi32>], vector<16xf32>,
          %mul3A_414 = arith.constant 128 : i32
          %mul3A_415 = arith.muli %squeeze3A_387, %mul3A_414 : i32
          %add3A_416 = arith.constant 32 : i32
          %add3A_417 = arith.addi %mul3A_415, %add3A_416 : i32
          %add3A_418 = vector.broadcast %add3A_417 : i32 to vector<16xi32>
          %add3A_419 = arith.addi %add3A_418, %iota3A : vector<16xi32>
          %add3A_420 = arith.constant 32 : i32
          %add3A_421 = arith.addi %mul3A_393, %add3A_420 : i32
          %get3A_422 = arith.index_cast %add3A_421 : i32 to index
          %get3A_423 = tpu.vector_load %arg6[%get3A_422] {strides = array<i32>} : memref<51200xf32, #tpu.memory_space<vmem>>, vector<16xf32>,
          tpu.vector_store_idx %arg8[%add3A_419], %get3A_423 {add = true} : memref<4096xf32, #tpu.memory_space<vmem>>[vector<16xi32>], vector<16xf32>,
          %mul3A_424 = arith.constant 128 : i32
          %mul3A_425 = arith.muli %squeeze3A_387, %mul3A_424 : i32
          %add3A_426 = arith.constant 48 : i32
          %add3A_427 = arith.addi %mul3A_425, %add3A_426 : i32
          %add3A_428 = vector.broadcast %add3A_427 : i32 to vector<16xi32>
          %add3A_429 = arith.addi %add3A_428, %iota3A : vector<16xi32>
          %add3A_430 = arith.constant 48 : i32
          %add3A_431 = arith.addi %mul3A_393, %add3A_430 : i32
          %get3A_432 = arith.index_cast %add3A_431 : i32 to index
          %get3A_433 = tpu.vector_load %arg6[%get3A_432] {strides = array<i32>} : memref<51200xf32, #tpu.memory_space<vmem>>, vector<16xf32>,
          tpu.vector_store_idx %arg8[%add3A_429], %get3A_433 {add = true} : memref<4096xf32, #tpu.memory_space<vmem>>[vector<16xi32>], vector<16xf32>,
          %mul3A_434 = arith.constant 128 : i32
          %mul3A_435 = arith.muli %squeeze3A_387, %mul3A_434 : i32
          %add3A_436 = arith.constant 64 : i32
          %add3A_437 = arith.addi %mul3A_435, %add3A_436 : i32
          %add3A_438 = vector.broadcast %add3A_437 : i32 to vector<16xi32>
          %add3A_439 = arith.addi %add3A_438, %iota3A : vector<16xi32>
          %add3A_440 = arith.constant 64 : i32
          %add3A_441 = arith.addi %mul3A_393, %add3A_440 : i32
          %get3A_442 = arith.index_cast %add3A_441 : i32 to index
          %get3A_443 = tpu.vector_load %arg6[%get3A_442] {strides = array<i32>} : memref<51200xf32, #tpu.memory_space<vmem>>, vector<16xf32>,
          tpu.vector_store_idx %arg8[%add3A_439], %get3A_443 {add = true} : memref<4096xf32, #tpu.memory_space<vmem>>[vector<16xi32>], vector<16xf32>,
          %mul3A_444 = arith.constant 128 : i32
          %mul3A_445 = arith.muli %squeeze3A_387, %mul3A_444 : i32
          %add3A_446 = arith.constant 80 : i32
          %add3A_447 = arith.addi %mul3A_445, %add3A_446 : i32
          %add3A_448 = vector.broadcast %add3A_447 : i32 to vector<16xi32>
          %add3A_449 = arith.addi %add3A_448, %iota3A : vector<16xi32>
          %add3A_450 = arith.constant 80 : i32
          %add3A_451 = arith.addi %mul3A_393, %add3A_450 : i32
          %get3A_452 = arith.index_cast %add3A_451 : i32 to index
          %get3A_453 = tpu.vector_load %arg6[%get3A_452] {strides = array<i32>} : memref<51200xf32, #tpu.memory_space<vmem>>, vector<16xf32>,
          tpu.vector_store_idx %arg8[%add3A_449], %get3A_453 {add = true} : memref<4096xf32, #tpu.memory_space<vmem>>[vector<16xi32>], vector<16xf32>,
          %mul3A_454 = arith.constant 128 : i32
          %mul3A_455 = arith.muli %squeeze3A_387, %mul3A_454 : i32
          %add3A_456 = arith.constant 96 : i32
          %add3A_457 = arith.addi %mul3A_455, %add3A_456 : i32
          %add3A_458 = vector.broadcast %add3A_457 : i32 to vector<16xi32>
          %add3A_459 = arith.addi %add3A_458, %iota3A : vector<16xi32>
          %add3A_460 = arith.constant 96 : i32
          %add3A_461 = arith.addi %mul3A_393, %add3A_460 : i32
          %get3A_462 = arith.index_cast %add3A_461 : i32 to index
          %get3A_463 = tpu.vector_load %arg6[%get3A_462] {strides = array<i32>} : memref<51200xf32, #tpu.memory_space<vmem>>, vector<16xf32>,
          tpu.vector_store_idx %arg8[%add3A_459], %get3A_463 {add = true} : memref<4096xf32, #tpu.memory_space<vmem>>[vector<16xi32>], vector<16xf32>,
          %mul3A_464 = arith.constant 128 : i32
          %mul3A_465 = arith.muli %squeeze3A_387, %mul3A_464 : i32
          %add3A_466 = arith.constant 112 : i32
          %add3A_467 = arith.addi %mul3A_465, %add3A_466 : i32
          %add3A_468 = vector.broadcast %add3A_467 : i32 to vector<16xi32>
          %add3A_469 = arith.addi %add3A_468, %iota3A : vector<16xi32>
          %add3A_470 = arith.constant 112 : i32
          %add3A_471 = arith.addi %mul3A_393, %add3A_470 : i32
          %get3A_472 = arith.index_cast %add3A_471 : i32 to index
          %get3A_473 = tpu.vector_load %arg6[%get3A_472] {strides = array<i32>} : memref<51200xf32, #tpu.memory_space<vmem>>, vector<16xf32>,
          tpu.vector_store_idx %arg8[%add3A_469], %get3A_473 {add = true} : memref<4096xf32, #tpu.memory_space<vmem>>[vector<16xi32>], vector<16xf32>,
          %broadcast_in_dim3A_474 = arith.constant 0 : i32
          %broadcast_in_dim3A_475 = vector.broadcast %broadcast_in_dim3A_474 : i32 to vector<16xi32>
          %add3A_476 = vector.broadcast %squeeze3A_387 : i32 to vector<16xi32>
          %add3A_477 = arith.addi %broadcast_in_dim3A_475, %add3A_476 : vector<16xi32>
          %add3A_478 = arith.constant 1.000000e+00 : f32
          %add3A_479 = vector.broadcast %add3A_478 : f32 to vector<16xf32>
          %add3A_480 = arith.addf %broadcast_in_dim3A_3, %add3A_479 : vector<16xf32>
          tpu.vector_store_idx %arg9[%add3A_477], %add3A_480 masked %eq3A_5 {add = true} : memref<32xf32, #tpu.memory_space<vmem>>[vector<16xi32>], vector<16xf32>, vector<16xi1>
          %slice3A_481 = vector.extract_strided_slice %get3A_195 {offsets = [3], sizes = [1], strides = [1]} : vector<16xi32> to vector<1xi32>
          %squeeze3A_482 = vector.extract %slice3A_481[0] : i32 from vector<1xi32>
          %mul3A_483 = arith.constant 16 : i32
          %mul3A_484 = arith.muli %scan3A_187, %mul3A_483 : i32
          %add3A_485 = arith.constant 3 : i32
          %add3A_486 = arith.addi %mul3A_484, %add3A_485 : i32
          %mul3A_487 = arith.constant 128 : i32
          %mul3A_488 = arith.muli %add3A_486, %mul3A_487 : i32
          %mul3A_489 = arith.constant 128 : i32
          %mul3A_490 = arith.muli %squeeze3A_482, %mul3A_489 : i32
          %add3A_491 = arith.constant 0 : i32
          %add3A_492 = arith.addi %mul3A_490, %add3A_491 : i32
          %add3A_493 = vector.broadcast %add3A_492 : i32 to vector<16xi32>
          %add3A_494 = arith.addi %add3A_493, %iota3A : vector<16xi32>
          %add3A_495 = arith.constant 0 : i32
          %add3A_496 = arith.addi %mul3A_488, %add3A_495 : i32
          %get3A_497 = arith.index_cast %add3A_496 : i32 to index
          %get3A_498 = tpu.vector_load %arg6[%get3A_497] {strides = array<i32>} : memref<51200xf32, #tpu.memory_space<vmem>>, vector<16xf32>,
          tpu.vector_store_idx %arg8[%add3A_494], %get3A_498 {add = true} : memref<4096xf32, #tpu.memory_space<vmem>>[vector<16xi32>], vector<16xf32>,
          %mul3A_499 = arith.constant 128 : i32
          %mul3A_500 = arith.muli %squeeze3A_482, %mul3A_499 : i32
          %add3A_501 = arith.constant 16 : i32
          %add3A_502 = arith.addi %mul3A_500, %add3A_501 : i32
          %add3A_503 = vector.broadcast %add3A_502 : i32 to vector<16xi32>
          %add3A_504 = arith.addi %add3A_503, %iota3A : vector<16xi32>
          %add3A_505 = arith.constant 16 : i32
          %add3A_506 = arith.addi %mul3A_488, %add3A_505 : i32
          %get3A_507 = arith.index_cast %add3A_506 : i32 to index
          %get3A_508 = tpu.vector_load %arg6[%get3A_507] {strides = array<i32>} : memref<51200xf32, #tpu.memory_space<vmem>>, vector<16xf32>,
          tpu.vector_store_idx %arg8[%add3A_504], %get3A_508 {add = true} : memref<4096xf32, #tpu.memory_space<vmem>>[vector<16xi32>], vector<16xf32>,
          %mul3A_509 = arith.constant 128 : i32
          %mul3A_510 = arith.muli %squeeze3A_482, %mul3A_509 : i32
          %add3A_511 = arith.constant 32 : i32
          %add3A_512 = arith.addi %mul3A_510, %add3A_511 : i32
          %add3A_513 = vector.broadcast %add3A_512 : i32 to vector<16xi32>
          %add3A_514 = arith.addi %add3A_513, %iota3A : vector<16xi32>
          %add3A_515 = arith.constant 32 : i32
          %add3A_516 = arith.addi %mul3A_488, %add3A_515 : i32
          %get3A_517 = arith.index_cast %add3A_516 : i32 to index
          %get3A_518 = tpu.vector_load %arg6[%get3A_517] {strides = array<i32>} : memref<51200xf32, #tpu.memory_space<vmem>>, vector<16xf32>,
          tpu.vector_store_idx %arg8[%add3A_514], %get3A_518 {add = true} : memref<4096xf32, #tpu.memory_space<vmem>>[vector<16xi32>], vector<16xf32>,
          %mul3A_519 = arith.constant 128 : i32
          %mul3A_520 = arith.muli %squeeze3A_482, %mul3A_519 : i32
          %add3A_521 = arith.constant 48 : i32
          %add3A_522 = arith.addi %mul3A_520, %add3A_521 : i32
          %add3A_523 = vector.broadcast %add3A_522 : i32 to vector<16xi32>
          %add3A_524 = arith.addi %add3A_523, %iota3A : vector<16xi32>
          %add3A_525 = arith.constant 48 : i32
          %add3A_526 = arith.addi %mul3A_488, %add3A_525 : i32
          %get3A_527 = arith.index_cast %add3A_526 : i32 to index
          %get3A_528 = tpu.vector_load %arg6[%get3A_527] {strides = array<i32>} : memref<51200xf32, #tpu.memory_space<vmem>>, vector<16xf32>,
          tpu.vector_store_idx %arg8[%add3A_524], %get3A_528 {add = true} : memref<4096xf32, #tpu.memory_space<vmem>>[vector<16xi32>], vector<16xf32>,
          %mul3A_529 = arith.constant 128 : i32
          %mul3A_530 = arith.muli %squeeze3A_482, %mul3A_529 : i32
          %add3A_531 = arith.constant 64 : i32
          %add3A_532 = arith.addi %mul3A_530, %add3A_531 : i32
          %add3A_533 = vector.broadcast %add3A_532 : i32 to vector<16xi32>
          %add3A_534 = arith.addi %add3A_533, %iota3A : vector<16xi32>
          %add3A_535 = arith.constant 64 : i32
          %add3A_536 = arith.addi %mul3A_488, %add3A_535 : i32
          %get3A_537 = arith.index_cast %add3A_536 : i32 to index
          %get3A_538 = tpu.vector_load %arg6[%get3A_537] {strides = array<i32>} : memref<51200xf32, #tpu.memory_space<vmem>>, vector<16xf32>,
          tpu.vector_store_idx %arg8[%add3A_534], %get3A_538 {add = true} : memref<4096xf32, #tpu.memory_space<vmem>>[vector<16xi32>], vector<16xf32>,
          %mul3A_539 = arith.constant 128 : i32
          %mul3A_540 = arith.muli %squeeze3A_482, %mul3A_539 : i32
          %add3A_541 = arith.constant 80 : i32
          %add3A_542 = arith.addi %mul3A_540, %add3A_541 : i32
          %add3A_543 = vector.broadcast %add3A_542 : i32 to vector<16xi32>
          %add3A_544 = arith.addi %add3A_543, %iota3A : vector<16xi32>
          %add3A_545 = arith.constant 80 : i32
          %add3A_546 = arith.addi %mul3A_488, %add3A_545 : i32
          %get3A_547 = arith.index_cast %add3A_546 : i32 to index
          %get3A_548 = tpu.vector_load %arg6[%get3A_547] {strides = array<i32>} : memref<51200xf32, #tpu.memory_space<vmem>>, vector<16xf32>,
          tpu.vector_store_idx %arg8[%add3A_544], %get3A_548 {add = true} : memref<4096xf32, #tpu.memory_space<vmem>>[vector<16xi32>], vector<16xf32>,
          %mul3A_549 = arith.constant 128 : i32
          %mul3A_550 = arith.muli %squeeze3A_482, %mul3A_549 : i32
          %add3A_551 = arith.constant 96 : i32
          %add3A_552 = arith.addi %mul3A_550, %add3A_551 : i32
          %add3A_553 = vector.broadcast %add3A_552 : i32 to vector<16xi32>
          %add3A_554 = arith.addi %add3A_553, %iota3A : vector<16xi32>
          %add3A_555 = arith.constant 96 : i32
          %add3A_556 = arith.addi %mul3A_488, %add3A_555 : i32
          %get3A_557 = arith.index_cast %add3A_556 : i32 to index
          %get3A_558 = tpu.vector_load %arg6[%get3A_557] {strides = array<i32>} : memref<51200xf32, #tpu.memory_space<vmem>>, vector<16xf32>,
          tpu.vector_store_idx %arg8[%add3A_554], %get3A_558 {add = true} : memref<4096xf32, #tpu.memory_space<vmem>>[vector<16xi32>], vector<16xf32>,
          %mul3A_559 = arith.constant 128 : i32
          %mul3A_560 = arith.muli %squeeze3A_482, %mul3A_559 : i32
          %add3A_561 = arith.constant 112 : i32
          %add3A_562 = arith.addi %mul3A_560, %add3A_561 : i32
          %add3A_563 = vector.broadcast %add3A_562 : i32 to vector<16xi32>
          %add3A_564 = arith.addi %add3A_563, %iota3A : vector<16xi32>
          %add3A_565 = arith.constant 112 : i32
          %add3A_566 = arith.addi %mul3A_488, %add3A_565 : i32
          %get3A_567 = arith.index_cast %add3A_566 : i32 to index
          %get3A_568 = tpu.vector_load %arg6[%get3A_567] {strides = array<i32>} : memref<51200xf32, #tpu.memory_space<vmem>>, vector<16xf32>,
          tpu.vector_store_idx %arg8[%add3A_564], %get3A_568 {add = true} : memref<4096xf32, #tpu.memory_space<vmem>>[vector<16xi32>], vector<16xf32>,
          %broadcast_in_dim3A_569 = arith.constant 0 : i32
          %broadcast_in_dim3A_570 = vector.broadcast %broadcast_in_dim3A_569 : i32 to vector<16xi32>
          %add3A_571 = vector.broadcast %squeeze3A_482 : i32 to vector<16xi32>
          %add3A_572 = arith.addi %broadcast_in_dim3A_570, %add3A_571 : vector<16xi32>
          %add3A_573 = arith.constant 1.000000e+00 : f32
          %add3A_574 = vector.broadcast %add3A_573 : f32 to vector<16xf32>
          %add3A_575 = arith.addf %broadcast_in_dim3A_3, %add3A_574 : vector<16xf32>
          tpu.vector_store_idx %arg9[%add3A_572], %add3A_575 masked %eq3A_5 {add = true} : memref<32xf32, #tpu.memory_space<vmem>>[vector<16xi32>], vector<16xf32>, vector<16xi1>
          %slice3A_576 = vector.extract_strided_slice %get3A_195 {offsets = [4], sizes = [1], strides = [1]} : vector<16xi32> to vector<1xi32>
          %squeeze3A_577 = vector.extract %slice3A_576[0] : i32 from vector<1xi32>
          %mul3A_578 = arith.constant 16 : i32
          %mul3A_579 = arith.muli %scan3A_187, %mul3A_578 : i32
          %add3A_580 = arith.constant 4 : i32
          %add3A_581 = arith.addi %mul3A_579, %add3A_580 : i32
          %mul3A_582 = arith.constant 128 : i32
          %mul3A_583 = arith.muli %add3A_581, %mul3A_582 : i32
          %mul3A_584 = arith.constant 128 : i32
          %mul3A_585 = arith.muli %squeeze3A_577, %mul3A_584 : i32
          %add3A_586 = arith.constant 0 : i32
          %add3A_587 = arith.addi %mul3A_585, %add3A_586 : i32
          %add3A_588 = vector.broadcast %add3A_587 : i32 to vector<16xi32>
          %add3A_589 = arith.addi %add3A_588, %iota3A : vector<16xi32>
          %add3A_590 = arith.constant 0 : i32
          %add3A_591 = arith.addi %mul3A_583, %add3A_590 : i32
          %get3A_592 = arith.index_cast %add3A_591 : i32 to index
          %get3A_593 = tpu.vector_load %arg6[%get3A_592] {strides = array<i32>} : memref<51200xf32, #tpu.memory_space<vmem>>, vector<16xf32>,
          tpu.vector_store_idx %arg8[%add3A_589], %get3A_593 {add = true} : memref<4096xf32, #tpu.memory_space<vmem>>[vector<16xi32>], vector<16xf32>,
          %mul3A_594 = arith.constant 128 : i32
          %mul3A_595 = arith.muli %squeeze3A_577, %mul3A_594 : i32
          %add3A_596 = arith.constant 16 : i32
          %add3A_597 = arith.addi %mul3A_595, %add3A_596 : i32
          %add3A_598 = vector.broadcast %add3A_597 : i32 to vector<16xi32>
          %add3A_599 = arith.addi %add3A_598, %iota3A : vector<16xi32>
          %add3A_600 = arith.constant 16 : i32
          %add3A_601 = arith.addi %mul3A_583, %add3A_600 : i32
          %get3A_602 = arith.index_cast %add3A_601 : i32 to index
          %get3A_603 = tpu.vector_load %arg6[%get3A_602] {strides = array<i32>} : memref<51200xf32, #tpu.memory_space<vmem>>, vector<16xf32>,
          tpu.vector_store_idx %arg8[%add3A_599], %get3A_603 {add = true} : memref<4096xf32, #tpu.memory_space<vmem>>[vector<16xi32>], vector<16xf32>,
          %mul3A_604 = arith.constant 128 : i32
          %mul3A_605 = arith.muli %squeeze3A_577, %mul3A_604 : i32
          %add3A_606 = arith.constant 32 : i32
          %add3A_607 = arith.addi %mul3A_605, %add3A_606 : i32
          %add3A_608 = vector.broadcast %add3A_607 : i32 to vector<16xi32>
          %add3A_609 = arith.addi %add3A_608, %iota3A : vector<16xi32>
          %add3A_610 = arith.constant 32 : i32
          %add3A_611 = arith.addi %mul3A_583, %add3A_610 : i32
          %get3A_612 = arith.index_cast %add3A_611 : i32 to index
          %get3A_613 = tpu.vector_load %arg6[%get3A_612] {strides = array<i32>} : memref<51200xf32, #tpu.memory_space<vmem>>, vector<16xf32>,
          tpu.vector_store_idx %arg8[%add3A_609], %get3A_613 {add = true} : memref<4096xf32, #tpu.memory_space<vmem>>[vector<16xi32>], vector<16xf32>,
          %mul3A_614 = arith.constant 128 : i32
          %mul3A_615 = arith.muli %squeeze3A_577, %mul3A_614 : i32
          %add3A_616 = arith.constant 48 : i32
          %add3A_617 = arith.addi %mul3A_615, %add3A_616 : i32
          %add3A_618 = vector.broadcast %add3A_617 : i32 to vector<16xi32>
          %add3A_619 = arith.addi %add3A_618, %iota3A : vector<16xi32>
          %add3A_620 = arith.constant 48 : i32
          %add3A_621 = arith.addi %mul3A_583, %add3A_620 : i32
          %get3A_622 = arith.index_cast %add3A_621 : i32 to index
          %get3A_623 = tpu.vector_load %arg6[%get3A_622] {strides = array<i32>} : memref<51200xf32, #tpu.memory_space<vmem>>, vector<16xf32>,
          tpu.vector_store_idx %arg8[%add3A_619], %get3A_623 {add = true} : memref<4096xf32, #tpu.memory_space<vmem>>[vector<16xi32>], vector<16xf32>,
          %mul3A_624 = arith.constant 128 : i32
          %mul3A_625 = arith.muli %squeeze3A_577, %mul3A_624 : i32
          %add3A_626 = arith.constant 64 : i32
          %add3A_627 = arith.addi %mul3A_625, %add3A_626 : i32
          %add3A_628 = vector.broadcast %add3A_627 : i32 to vector<16xi32>
          %add3A_629 = arith.addi %add3A_628, %iota3A : vector<16xi32>
          %add3A_630 = arith.constant 64 : i32
          %add3A_631 = arith.addi %mul3A_583, %add3A_630 : i32
          %get3A_632 = arith.index_cast %add3A_631 : i32 to index
          %get3A_633 = tpu.vector_load %arg6[%get3A_632] {strides = array<i32>} : memref<51200xf32, #tpu.memory_space<vmem>>, vector<16xf32>,
          tpu.vector_store_idx %arg8[%add3A_629], %get3A_633 {add = true} : memref<4096xf32, #tpu.memory_space<vmem>>[vector<16xi32>], vector<16xf32>,
          %mul3A_634 = arith.constant 128 : i32
          %mul3A_635 = arith.muli %squeeze3A_577, %mul3A_634 : i32
          %add3A_636 = arith.constant 80 : i32
          %add3A_637 = arith.addi %mul3A_635, %add3A_636 : i32
          %add3A_638 = vector.broadcast %add3A_637 : i32 to vector<16xi32>
          %add3A_639 = arith.addi %add3A_638, %iota3A : vector<16xi32>
          %add3A_640 = arith.constant 80 : i32
          %add3A_641 = arith.addi %mul3A_583, %add3A_640 : i32
          %get3A_642 = arith.index_cast %add3A_641 : i32 to index
          %get3A_643 = tpu.vector_load %arg6[%get3A_642] {strides = array<i32>} : memref<51200xf32, #tpu.memory_space<vmem>>, vector<16xf32>,
          tpu.vector_store_idx %arg8[%add3A_639], %get3A_643 {add = true} : memref<4096xf32, #tpu.memory_space<vmem>>[vector<16xi32>], vector<16xf32>,
          %mul3A_644 = arith.constant 128 : i32
          %mul3A_645 = arith.muli %squeeze3A_577, %mul3A_644 : i32
          %add3A_646 = arith.constant 96 : i32
          %add3A_647 = arith.addi %mul3A_645, %add3A_646 : i32
          %add3A_648 = vector.broadcast %add3A_647 : i32 to vector<16xi32>
          %add3A_649 = arith.addi %add3A_648, %iota3A : vector<16xi32>
          %add3A_650 = arith.constant 96 : i32
          %add3A_651 = arith.addi %mul3A_583, %add3A_650 : i32
          %get3A_652 = arith.index_cast %add3A_651 : i32 to index
          %get3A_653 = tpu.vector_load %arg6[%get3A_652] {strides = array<i32>} : memref<51200xf32, #tpu.memory_space<vmem>>, vector<16xf32>,
          tpu.vector_store_idx %arg8[%add3A_649], %get3A_653 {add = true} : memref<4096xf32, #tpu.memory_space<vmem>>[vector<16xi32>], vector<16xf32>,
          %mul3A_654 = arith.constant 128 : i32
          %mul3A_655 = arith.muli %squeeze3A_577, %mul3A_654 : i32
          %add3A_656 = arith.constant 112 : i32
          %add3A_657 = arith.addi %mul3A_655, %add3A_656 : i32
          %add3A_658 = vector.broadcast %add3A_657 : i32 to vector<16xi32>
          %add3A_659 = arith.addi %add3A_658, %iota3A : vector<16xi32>
          %add3A_660 = arith.constant 112 : i32
          %add3A_661 = arith.addi %mul3A_583, %add3A_660 : i32
          %get3A_662 = arith.index_cast %add3A_661 : i32 to index
          %get3A_663 = tpu.vector_load %arg6[%get3A_662] {strides = array<i32>} : memref<51200xf32, #tpu.memory_space<vmem>>, vector<16xf32>,
          tpu.vector_store_idx %arg8[%add3A_659], %get3A_663 {add = true} : memref<4096xf32, #tpu.memory_space<vmem>>[vector<16xi32>], vector<16xf32>,
          %broadcast_in_dim3A_664 = arith.constant 0 : i32
          %broadcast_in_dim3A_665 = vector.broadcast %broadcast_in_dim3A_664 : i32 to vector<16xi32>
          %add3A_666 = vector.broadcast %squeeze3A_577 : i32 to vector<16xi32>
          %add3A_667 = arith.addi %broadcast_in_dim3A_665, %add3A_666 : vector<16xi32>
          %add3A_668 = arith.constant 1.000000e+00 : f32
          %add3A_669 = vector.broadcast %add3A_668 : f32 to vector<16xf32>
          %add3A_670 = arith.addf %broadcast_in_dim3A_3, %add3A_669 : vector<16xf32>
          tpu.vector_store_idx %arg9[%add3A_667], %add3A_670 masked %eq3A_5 {add = true} : memref<32xf32, #tpu.memory_space<vmem>>[vector<16xi32>], vector<16xf32>, vector<16xi1>
          %slice3A_671 = vector.extract_strided_slice %get3A_195 {offsets = [5], sizes = [1], strides = [1]} : vector<16xi32> to vector<1xi32>
          %squeeze3A_672 = vector.extract %slice3A_671[0] : i32 from vector<1xi32>
          %mul3A_673 = arith.constant 16 : i32
          %mul3A_674 = arith.muli %scan3A_187, %mul3A_673 : i32
          %add3A_675 = arith.constant 5 : i32
          %add3A_676 = arith.addi %mul3A_674, %add3A_675 : i32
          %mul3A_677 = arith.constant 128 : i32
          %mul3A_678 = arith.muli %add3A_676, %mul3A_677 : i32
          %mul3A_679 = arith.constant 128 : i32
          %mul3A_680 = arith.muli %squeeze3A_672, %mul3A_679 : i32
          %add3A_681 = arith.constant 0 : i32
          %add3A_682 = arith.addi %mul3A_680, %add3A_681 : i32
          %add3A_683 = vector.broadcast %add3A_682 : i32 to vector<16xi32>
          %add3A_684 = arith.addi %add3A_683, %iota3A : vector<16xi32>
          %add3A_685 = arith.constant 0 : i32
          %add3A_686 = arith.addi %mul3A_678, %add3A_685 : i32
          %get3A_687 = arith.index_cast %add3A_686 : i32 to index
          %get3A_688 = tpu.vector_load %arg6[%get3A_687] {strides = array<i32>} : memref<51200xf32, #tpu.memory_space<vmem>>, vector<16xf32>,
          tpu.vector_store_idx %arg8[%add3A_684], %get3A_688 {add = true} : memref<4096xf32, #tpu.memory_space<vmem>>[vector<16xi32>], vector<16xf32>,
          %mul3A_689 = arith.constant 128 : i32
          %mul3A_690 = arith.muli %squeeze3A_672, %mul3A_689 : i32
          %add3A_691 = arith.constant 16 : i32
          %add3A_692 = arith.addi %mul3A_690, %add3A_691 : i32
          %add3A_693 = vector.broadcast %add3A_692 : i32 to vector<16xi32>
          %add3A_694 = arith.addi %add3A_693, %iota3A : vector<16xi32>
          %add3A_695 = arith.constant 16 : i32
          %add3A_696 = arith.addi %mul3A_678, %add3A_695 : i32
          %get3A_697 = arith.index_cast %add3A_696 : i32 to index
          %get3A_698 = tpu.vector_load %arg6[%get3A_697] {strides = array<i32>} : memref<51200xf32, #tpu.memory_space<vmem>>, vector<16xf32>,
          tpu.vector_store_idx %arg8[%add3A_694], %get3A_698 {add = true} : memref<4096xf32, #tpu.memory_space<vmem>>[vector<16xi32>], vector<16xf32>,
          %mul3A_699 = arith.constant 128 : i32
          %mul3A_700 = arith.muli %squeeze3A_672, %mul3A_699 : i32
          %add3A_701 = arith.constant 32 : i32
          %add3A_702 = arith.addi %mul3A_700, %add3A_701 : i32
          %add3A_703 = vector.broadcast %add3A_702 : i32 to vector<16xi32>
          %add3A_704 = arith.addi %add3A_703, %iota3A : vector<16xi32>
          %add3A_705 = arith.constant 32 : i32
          %add3A_706 = arith.addi %mul3A_678, %add3A_705 : i32
          %get3A_707 = arith.index_cast %add3A_706 : i32 to index
          %get3A_708 = tpu.vector_load %arg6[%get3A_707] {strides = array<i32>} : memref<51200xf32, #tpu.memory_space<vmem>>, vector<16xf32>,
          tpu.vector_store_idx %arg8[%add3A_704], %get3A_708 {add = true} : memref<4096xf32, #tpu.memory_space<vmem>>[vector<16xi32>], vector<16xf32>,
          %mul3A_709 = arith.constant 128 : i32
          %mul3A_710 = arith.muli %squeeze3A_672, %mul3A_709 : i32
          %add3A_711 = arith.constant 48 : i32
          %add3A_712 = arith.addi %mul3A_710, %add3A_711 : i32
          %add3A_713 = vector.broadcast %add3A_712 : i32 to vector<16xi32>
          %add3A_714 = arith.addi %add3A_713, %iota3A : vector<16xi32>
          %add3A_715 = arith.constant 48 : i32
          %add3A_716 = arith.addi %mul3A_678, %add3A_715 : i32
          %get3A_717 = arith.index_cast %add3A_716 : i32 to index
          %get3A_718 = tpu.vector_load %arg6[%get3A_717] {strides = array<i32>} : memref<51200xf32, #tpu.memory_space<vmem>>, vector<16xf32>,
          tpu.vector_store_idx %arg8[%add3A_714], %get3A_718 {add = true} : memref<4096xf32, #tpu.memory_space<vmem>>[vector<16xi32>], vector<16xf32>,
          %mul3A_719 = arith.constant 128 : i32
          %mul3A_720 = arith.muli %squeeze3A_672, %mul3A_719 : i32
          %add3A_721 = arith.constant 64 : i32
          %add3A_722 = arith.addi %mul3A_720, %add3A_721 : i32
          %add3A_723 = vector.broadcast %add3A_722 : i32 to vector<16xi32>
          %add3A_724 = arith.addi %add3A_723, %iota3A : vector<16xi32>
          %add3A_725 = arith.constant 64 : i32
          %add3A_726 = arith.addi %mul3A_678, %add3A_725 : i32
          %get3A_727 = arith.index_cast %add3A_726 : i32 to index
          %get3A_728 = tpu.vector_load %arg6[%get3A_727] {strides = array<i32>} : memref<51200xf32, #tpu.memory_space<vmem>>, vector<16xf32>,
          tpu.vector_store_idx %arg8[%add3A_724], %get3A_728 {add = true} : memref<4096xf32, #tpu.memory_space<vmem>>[vector<16xi32>], vector<16xf32>,
          %mul3A_729 = arith.constant 128 : i32
          %mul3A_730 = arith.muli %squeeze3A_672, %mul3A_729 : i32
          %add3A_731 = arith.constant 80 : i32
          %add3A_732 = arith.addi %mul3A_730, %add3A_731 : i32
          %add3A_733 = vector.broadcast %add3A_732 : i32 to vector<16xi32>
          %add3A_734 = arith.addi %add3A_733, %iota3A : vector<16xi32>
          %add3A_735 = arith.constant 80 : i32
          %add3A_736 = arith.addi %mul3A_678, %add3A_735 : i32
          %get3A_737 = arith.index_cast %add3A_736 : i32 to index
          %get3A_738 = tpu.vector_load %arg6[%get3A_737] {strides = array<i32>} : memref<51200xf32, #tpu.memory_space<vmem>>, vector<16xf32>,
          tpu.vector_store_idx %arg8[%add3A_734], %get3A_738 {add = true} : memref<4096xf32, #tpu.memory_space<vmem>>[vector<16xi32>], vector<16xf32>,
          %mul3A_739 = arith.constant 128 : i32
          %mul3A_740 = arith.muli %squeeze3A_672, %mul3A_739 : i32
          %add3A_741 = arith.constant 96 : i32
          %add3A_742 = arith.addi %mul3A_740, %add3A_741 : i32
          %add3A_743 = vector.broadcast %add3A_742 : i32 to vector<16xi32>
          %add3A_744 = arith.addi %add3A_743, %iota3A : vector<16xi32>
          %add3A_745 = arith.constant 96 : i32
          %add3A_746 = arith.addi %mul3A_678, %add3A_745 : i32
          %get3A_747 = arith.index_cast %add3A_746 : i32 to index
          %get3A_748 = tpu.vector_load %arg6[%get3A_747] {strides = array<i32>} : memref<51200xf32, #tpu.memory_space<vmem>>, vector<16xf32>,
          tpu.vector_store_idx %arg8[%add3A_744], %get3A_748 {add = true} : memref<4096xf32, #tpu.memory_space<vmem>>[vector<16xi32>], vector<16xf32>,
          %mul3A_749 = arith.constant 128 : i32
          %mul3A_750 = arith.muli %squeeze3A_672, %mul3A_749 : i32
          %add3A_751 = arith.constant 112 : i32
          %add3A_752 = arith.addi %mul3A_750, %add3A_751 : i32
          %add3A_753 = vector.broadcast %add3A_752 : i32 to vector<16xi32>
          %add3A_754 = arith.addi %add3A_753, %iota3A : vector<16xi32>
          %add3A_755 = arith.constant 112 : i32
          %add3A_756 = arith.addi %mul3A_678, %add3A_755 : i32
          %get3A_757 = arith.index_cast %add3A_756 : i32 to index
          %get3A_758 = tpu.vector_load %arg6[%get3A_757] {strides = array<i32>} : memref<51200xf32, #tpu.memory_space<vmem>>, vector<16xf32>,
          tpu.vector_store_idx %arg8[%add3A_754], %get3A_758 {add = true} : memref<4096xf32, #tpu.memory_space<vmem>>[vector<16xi32>], vector<16xf32>,
          %broadcast_in_dim3A_759 = arith.constant 0 : i32
          %broadcast_in_dim3A_760 = vector.broadcast %broadcast_in_dim3A_759 : i32 to vector<16xi32>
          %add3A_761 = vector.broadcast %squeeze3A_672 : i32 to vector<16xi32>
          %add3A_762 = arith.addi %broadcast_in_dim3A_760, %add3A_761 : vector<16xi32>
          %add3A_763 = arith.constant 1.000000e+00 : f32
          %add3A_764 = vector.broadcast %add3A_763 : f32 to vector<16xf32>
          %add3A_765 = arith.addf %broadcast_in_dim3A_3, %add3A_764 : vector<16xf32>
          tpu.vector_store_idx %arg9[%add3A_762], %add3A_765 masked %eq3A_5 {add = true} : memref<32xf32, #tpu.memory_space<vmem>>[vector<16xi32>], vector<16xf32>, vector<16xi1>
          %slice3A_766 = vector.extract_strided_slice %get3A_195 {offsets = [6], sizes = [1], strides = [1]} : vector<16xi32> to vector<1xi32>
          %squeeze3A_767 = vector.extract %slice3A_766[0] : i32 from vector<1xi32>
          %mul3A_768 = arith.constant 16 : i32
          %mul3A_769 = arith.muli %scan3A_187, %mul3A_768 : i32
          %add3A_770 = arith.constant 6 : i32
          %add3A_771 = arith.addi %mul3A_769, %add3A_770 : i32
          %mul3A_772 = arith.constant 128 : i32
          %mul3A_773 = arith.muli %add3A_771, %mul3A_772 : i32
          %mul3A_774 = arith.constant 128 : i32
          %mul3A_775 = arith.muli %squeeze3A_767, %mul3A_774 : i32
          %add3A_776 = arith.constant 0 : i32
          %add3A_777 = arith.addi %mul3A_775, %add3A_776 : i32
          %add3A_778 = vector.broadcast %add3A_777 : i32 to vector<16xi32>
          %add3A_779 = arith.addi %add3A_778, %iota3A : vector<16xi32>
          %add3A_780 = arith.constant 0 : i32
          %add3A_781 = arith.addi %mul3A_773, %add3A_780 : i32
          %get3A_782 = arith.index_cast %add3A_781 : i32 to index
          %get3A_783 = tpu.vector_load %arg6[%get3A_782] {strides = array<i32>} : memref<51200xf32, #tpu.memory_space<vmem>>, vector<16xf32>,
          tpu.vector_store_idx %arg8[%add3A_779], %get3A_783 {add = true} : memref<4096xf32, #tpu.memory_space<vmem>>[vector<16xi32>], vector<16xf32>,
          %mul3A_784 = arith.constant 128 : i32
          %mul3A_785 = arith.muli %squeeze3A_767, %mul3A_784 : i32
          %add3A_786 = arith.constant 16 : i32
          %add3A_787 = arith.addi %mul3A_785, %add3A_786 : i32
          %add3A_788 = vector.broadcast %add3A_787 : i32 to vector<16xi32>
          %add3A_789 = arith.addi %add3A_788, %iota3A : vector<16xi32>
          %add3A_790 = arith.constant 16 : i32
          %add3A_791 = arith.addi %mul3A_773, %add3A_790 : i32
          %get3A_792 = arith.index_cast %add3A_791 : i32 to index
          %get3A_793 = tpu.vector_load %arg6[%get3A_792] {strides = array<i32>} : memref<51200xf32, #tpu.memory_space<vmem>>, vector<16xf32>,
          tpu.vector_store_idx %arg8[%add3A_789], %get3A_793 {add = true} : memref<4096xf32, #tpu.memory_space<vmem>>[vector<16xi32>], vector<16xf32>,
          %mul3A_794 = arith.constant 128 : i32
          %mul3A_795 = arith.muli %squeeze3A_767, %mul3A_794 : i32
          %add3A_796 = arith.constant 32 : i32
          %add3A_797 = arith.addi %mul3A_795, %add3A_796 : i32
          %add3A_798 = vector.broadcast %add3A_797 : i32 to vector<16xi32>
          %add3A_799 = arith.addi %add3A_798, %iota3A : vector<16xi32>
          %add3A_800 = arith.constant 32 : i32
          %add3A_801 = arith.addi %mul3A_773, %add3A_800 : i32
          %get3A_802 = arith.index_cast %add3A_801 : i32 to index
          %get3A_803 = tpu.vector_load %arg6[%get3A_802] {strides = array<i32>} : memref<51200xf32, #tpu.memory_space<vmem>>, vector<16xf32>,
          tpu.vector_store_idx %arg8[%add3A_799], %get3A_803 {add = true} : memref<4096xf32, #tpu.memory_space<vmem>>[vector<16xi32>], vector<16xf32>,
          %mul3A_804 = arith.constant 128 : i32
          %mul3A_805 = arith.muli %squeeze3A_767, %mul3A_804 : i32
          %add3A_806 = arith.constant 48 : i32
          %add3A_807 = arith.addi %mul3A_805, %add3A_806 : i32
          %add3A_808 = vector.broadcast %add3A_807 : i32 to vector<16xi32>
          %add3A_809 = arith.addi %add3A_808, %iota3A : vector<16xi32>
          %add3A_810 = arith.constant 48 : i32
          %add3A_811 = arith.addi %mul3A_773, %add3A_810 : i32
          %get3A_812 = arith.index_cast %add3A_811 : i32 to index
          %get3A_813 = tpu.vector_load %arg6[%get3A_812] {strides = array<i32>} : memref<51200xf32, #tpu.memory_space<vmem>>, vector<16xf32>,
          tpu.vector_store_idx %arg8[%add3A_809], %get3A_813 {add = true} : memref<4096xf32, #tpu.memory_space<vmem>>[vector<16xi32>], vector<16xf32>,
          %mul3A_814 = arith.constant 128 : i32
          %mul3A_815 = arith.muli %squeeze3A_767, %mul3A_814 : i32
          %add3A_816 = arith.constant 64 : i32
          %add3A_817 = arith.addi %mul3A_815, %add3A_816 : i32
          %add3A_818 = vector.broadcast %add3A_817 : i32 to vector<16xi32>
          %add3A_819 = arith.addi %add3A_818, %iota3A : vector<16xi32>
          %add3A_820 = arith.constant 64 : i32
          %add3A_821 = arith.addi %mul3A_773, %add3A_820 : i32
          %get3A_822 = arith.index_cast %add3A_821 : i32 to index
          %get3A_823 = tpu.vector_load %arg6[%get3A_822] {strides = array<i32>} : memref<51200xf32, #tpu.memory_space<vmem>>, vector<16xf32>,
          tpu.vector_store_idx %arg8[%add3A_819], %get3A_823 {add = true} : memref<4096xf32, #tpu.memory_space<vmem>>[vector<16xi32>], vector<16xf32>,
          %mul3A_824 = arith.constant 128 : i32
          %mul3A_825 = arith.muli %squeeze3A_767, %mul3A_824 : i32
          %add3A_826 = arith.constant 80 : i32
          %add3A_827 = arith.addi %mul3A_825, %add3A_826 : i32
          %add3A_828 = vector.broadcast %add3A_827 : i32 to vector<16xi32>
          %add3A_829 = arith.addi %add3A_828, %iota3A : vector<16xi32>
          %add3A_830 = arith.constant 80 : i32
          %add3A_831 = arith.addi %mul3A_773, %add3A_830 : i32
          %get3A_832 = arith.index_cast %add3A_831 : i32 to index
          %get3A_833 = tpu.vector_load %arg6[%get3A_832] {strides = array<i32>} : memref<51200xf32, #tpu.memory_space<vmem>>, vector<16xf32>,
          tpu.vector_store_idx %arg8[%add3A_829], %get3A_833 {add = true} : memref<4096xf32, #tpu.memory_space<vmem>>[vector<16xi32>], vector<16xf32>,
          %mul3A_834 = arith.constant 128 : i32
          %mul3A_835 = arith.muli %squeeze3A_767, %mul3A_834 : i32
          %add3A_836 = arith.constant 96 : i32
          %add3A_837 = arith.addi %mul3A_835, %add3A_836 : i32
          %add3A_838 = vector.broadcast %add3A_837 : i32 to vector<16xi32>
          %add3A_839 = arith.addi %add3A_838, %iota3A : vector<16xi32>
          %add3A_840 = arith.constant 96 : i32
          %add3A_841 = arith.addi %mul3A_773, %add3A_840 : i32
          %get3A_842 = arith.index_cast %add3A_841 : i32 to index
          %get3A_843 = tpu.vector_load %arg6[%get3A_842] {strides = array<i32>} : memref<51200xf32, #tpu.memory_space<vmem>>, vector<16xf32>,
          tpu.vector_store_idx %arg8[%add3A_839], %get3A_843 {add = true} : memref<4096xf32, #tpu.memory_space<vmem>>[vector<16xi32>], vector<16xf32>,
          %mul3A_844 = arith.constant 128 : i32
          %mul3A_845 = arith.muli %squeeze3A_767, %mul3A_844 : i32
          %add3A_846 = arith.constant 112 : i32
          %add3A_847 = arith.addi %mul3A_845, %add3A_846 : i32
          %add3A_848 = vector.broadcast %add3A_847 : i32 to vector<16xi32>
          %add3A_849 = arith.addi %add3A_848, %iota3A : vector<16xi32>
          %add3A_850 = arith.constant 112 : i32
          %add3A_851 = arith.addi %mul3A_773, %add3A_850 : i32
          %get3A_852 = arith.index_cast %add3A_851 : i32 to index
          %get3A_853 = tpu.vector_load %arg6[%get3A_852] {strides = array<i32>} : memref<51200xf32, #tpu.memory_space<vmem>>, vector<16xf32>,
          tpu.vector_store_idx %arg8[%add3A_849], %get3A_853 {add = true} : memref<4096xf32, #tpu.memory_space<vmem>>[vector<16xi32>], vector<16xf32>,
          %broadcast_in_dim3A_854 = arith.constant 0 : i32
          %broadcast_in_dim3A_855 = vector.broadcast %broadcast_in_dim3A_854 : i32 to vector<16xi32>
          %add3A_856 = vector.broadcast %squeeze3A_767 : i32 to vector<16xi32>
          %add3A_857 = arith.addi %broadcast_in_dim3A_855, %add3A_856 : vector<16xi32>
          %add3A_858 = arith.constant 1.000000e+00 : f32
          %add3A_859 = vector.broadcast %add3A_858 : f32 to vector<16xf32>
          %add3A_860 = arith.addf %broadcast_in_dim3A_3, %add3A_859 : vector<16xf32>
          tpu.vector_store_idx %arg9[%add3A_857], %add3A_860 masked %eq3A_5 {add = true} : memref<32xf32, #tpu.memory_space<vmem>>[vector<16xi32>], vector<16xf32>, vector<16xi1>
          %slice3A_861 = vector.extract_strided_slice %get3A_195 {offsets = [7], sizes = [1], strides = [1]} : vector<16xi32> to vector<1xi32>
          %squeeze3A_862 = vector.extract %slice3A_861[0] : i32 from vector<1xi32>
          %mul3A_863 = arith.constant 16 : i32
          %mul3A_864 = arith.muli %scan3A_187, %mul3A_863 : i32
          %add3A_865 = arith.constant 7 : i32
          %add3A_866 = arith.addi %mul3A_864, %add3A_865 : i32
          %mul3A_867 = arith.constant 128 : i32
          %mul3A_868 = arith.muli %add3A_866, %mul3A_867 : i32
          %mul3A_869 = arith.constant 128 : i32
          %mul3A_870 = arith.muli %squeeze3A_862, %mul3A_869 : i32
          %add3A_871 = arith.constant 0 : i32
          %add3A_872 = arith.addi %mul3A_870, %add3A_871 : i32
          %add3A_873 = vector.broadcast %add3A_872 : i32 to vector<16xi32>
          %add3A_874 = arith.addi %add3A_873, %iota3A : vector<16xi32>
          %add3A_875 = arith.constant 0 : i32
          %add3A_876 = arith.addi %mul3A_868, %add3A_875 : i32
          %get3A_877 = arith.index_cast %add3A_876 : i32 to index
          %get3A_878 = tpu.vector_load %arg6[%get3A_877] {strides = array<i32>} : memref<51200xf32, #tpu.memory_space<vmem>>, vector<16xf32>,
          tpu.vector_store_idx %arg8[%add3A_874], %get3A_878 {add = true} : memref<4096xf32, #tpu.memory_space<vmem>>[vector<16xi32>], vector<16xf32>,
          %mul3A_879 = arith.constant 128 : i32
          %mul3A_880 = arith.muli %squeeze3A_862, %mul3A_879 : i32
          %add3A_881 = arith.constant 16 : i32
          %add3A_882 = arith.addi %mul3A_880, %add3A_881 : i32
          %add3A_883 = vector.broadcast %add3A_882 : i32 to vector<16xi32>
          %add3A_884 = arith.addi %add3A_883, %iota3A : vector<16xi32>
          %add3A_885 = arith.constant 16 : i32
          %add3A_886 = arith.addi %mul3A_868, %add3A_885 : i32
          %get3A_887 = arith.index_cast %add3A_886 : i32 to index
          %get3A_888 = tpu.vector_load %arg6[%get3A_887] {strides = array<i32>} : memref<51200xf32, #tpu.memory_space<vmem>>, vector<16xf32>,
          tpu.vector_store_idx %arg8[%add3A_884], %get3A_888 {add = true} : memref<4096xf32, #tpu.memory_space<vmem>>[vector<16xi32>], vector<16xf32>,
          %mul3A_889 = arith.constant 128 : i32
          %mul3A_890 = arith.muli %squeeze3A_862, %mul3A_889 : i32
          %add3A_891 = arith.constant 32 : i32
          %add3A_892 = arith.addi %mul3A_890, %add3A_891 : i32
          %add3A_893 = vector.broadcast %add3A_892 : i32 to vector<16xi32>
          %add3A_894 = arith.addi %add3A_893, %iota3A : vector<16xi32>
          %add3A_895 = arith.constant 32 : i32
          %add3A_896 = arith.addi %mul3A_868, %add3A_895 : i32
          %get3A_897 = arith.index_cast %add3A_896 : i32 to index
          %get3A_898 = tpu.vector_load %arg6[%get3A_897] {strides = array<i32>} : memref<51200xf32, #tpu.memory_space<vmem>>, vector<16xf32>,
          tpu.vector_store_idx %arg8[%add3A_894], %get3A_898 {add = true} : memref<4096xf32, #tpu.memory_space<vmem>>[vector<16xi32>], vector<16xf32>,
          %mul3A_899 = arith.constant 128 : i32
          %mul3A_900 = arith.muli %squeeze3A_862, %mul3A_899 : i32
          %add3A_901 = arith.constant 48 : i32
          %add3A_902 = arith.addi %mul3A_900, %add3A_901 : i32
          %add3A_903 = vector.broadcast %add3A_902 : i32 to vector<16xi32>
          %add3A_904 = arith.addi %add3A_903, %iota3A : vector<16xi32>
          %add3A_905 = arith.constant 48 : i32
          %add3A_906 = arith.addi %mul3A_868, %add3A_905 : i32
          %get3A_907 = arith.index_cast %add3A_906 : i32 to index
          %get3A_908 = tpu.vector_load %arg6[%get3A_907] {strides = array<i32>} : memref<51200xf32, #tpu.memory_space<vmem>>, vector<16xf32>,
          tpu.vector_store_idx %arg8[%add3A_904], %get3A_908 {add = true} : memref<4096xf32, #tpu.memory_space<vmem>>[vector<16xi32>], vector<16xf32>,
          %mul3A_909 = arith.constant 128 : i32
          %mul3A_910 = arith.muli %squeeze3A_862, %mul3A_909 : i32
          %add3A_911 = arith.constant 64 : i32
          %add3A_912 = arith.addi %mul3A_910, %add3A_911 : i32
          %add3A_913 = vector.broadcast %add3A_912 : i32 to vector<16xi32>
          %add3A_914 = arith.addi %add3A_913, %iota3A : vector<16xi32>
          %add3A_915 = arith.constant 64 : i32
          %add3A_916 = arith.addi %mul3A_868, %add3A_915 : i32
          %get3A_917 = arith.index_cast %add3A_916 : i32 to index
          %get3A_918 = tpu.vector_load %arg6[%get3A_917] {strides = array<i32>} : memref<51200xf32, #tpu.memory_space<vmem>>, vector<16xf32>,
          tpu.vector_store_idx %arg8[%add3A_914], %get3A_918 {add = true} : memref<4096xf32, #tpu.memory_space<vmem>>[vector<16xi32>], vector<16xf32>,
          %mul3A_919 = arith.constant 128 : i32
          %mul3A_920 = arith.muli %squeeze3A_862, %mul3A_919 : i32
          %add3A_921 = arith.constant 80 : i32
          %add3A_922 = arith.addi %mul3A_920, %add3A_921 : i32
          %add3A_923 = vector.broadcast %add3A_922 : i32 to vector<16xi32>
          %add3A_924 = arith.addi %add3A_923, %iota3A : vector<16xi32>
          %add3A_925 = arith.constant 80 : i32
          %add3A_926 = arith.addi %mul3A_868, %add3A_925 : i32
          %get3A_927 = arith.index_cast %add3A_926 : i32 to index
          %get3A_928 = tpu.vector_load %arg6[%get3A_927] {strides = array<i32>} : memref<51200xf32, #tpu.memory_space<vmem>>, vector<16xf32>,
          tpu.vector_store_idx %arg8[%add3A_924], %get3A_928 {add = true} : memref<4096xf32, #tpu.memory_space<vmem>>[vector<16xi32>], vector<16xf32>,
          %mul3A_929 = arith.constant 128 : i32
          %mul3A_930 = arith.muli %squeeze3A_862, %mul3A_929 : i32
          %add3A_931 = arith.constant 96 : i32
          %add3A_932 = arith.addi %mul3A_930, %add3A_931 : i32
          %add3A_933 = vector.broadcast %add3A_932 : i32 to vector<16xi32>
          %add3A_934 = arith.addi %add3A_933, %iota3A : vector<16xi32>
          %add3A_935 = arith.constant 96 : i32
          %add3A_936 = arith.addi %mul3A_868, %add3A_935 : i32
          %get3A_937 = arith.index_cast %add3A_936 : i32 to index
          %get3A_938 = tpu.vector_load %arg6[%get3A_937] {strides = array<i32>} : memref<51200xf32, #tpu.memory_space<vmem>>, vector<16xf32>,
          tpu.vector_store_idx %arg8[%add3A_934], %get3A_938 {add = true} : memref<4096xf32, #tpu.memory_space<vmem>>[vector<16xi32>], vector<16xf32>,
          %mul3A_939 = arith.constant 128 : i32
          %mul3A_940 = arith.muli %squeeze3A_862, %mul3A_939 : i32
          %add3A_941 = arith.constant 112 : i32
          %add3A_942 = arith.addi %mul3A_940, %add3A_941 : i32
          %add3A_943 = vector.broadcast %add3A_942 : i32 to vector<16xi32>
          %add3A_944 = arith.addi %add3A_943, %iota3A : vector<16xi32>
          %add3A_945 = arith.constant 112 : i32
          %add3A_946 = arith.addi %mul3A_868, %add3A_945 : i32
          %get3A_947 = arith.index_cast %add3A_946 : i32 to index
          %get3A_948 = tpu.vector_load %arg6[%get3A_947] {strides = array<i32>} : memref<51200xf32, #tpu.memory_space<vmem>>, vector<16xf32>,
          tpu.vector_store_idx %arg8[%add3A_944], %get3A_948 {add = true} : memref<4096xf32, #tpu.memory_space<vmem>>[vector<16xi32>], vector<16xf32>,
          %broadcast_in_dim3A_949 = arith.constant 0 : i32
          %broadcast_in_dim3A_950 = vector.broadcast %broadcast_in_dim3A_949 : i32 to vector<16xi32>
          %add3A_951 = vector.broadcast %squeeze3A_862 : i32 to vector<16xi32>
          %add3A_952 = arith.addi %broadcast_in_dim3A_950, %add3A_951 : vector<16xi32>
          %add3A_953 = arith.constant 1.000000e+00 : f32
          %add3A_954 = vector.broadcast %add3A_953 : f32 to vector<16xf32>
          %add3A_955 = arith.addf %broadcast_in_dim3A_3, %add3A_954 : vector<16xf32>
          tpu.vector_store_idx %arg9[%add3A_952], %add3A_955 masked %eq3A_5 {add = true} : memref<32xf32, #tpu.memory_space<vmem>>[vector<16xi32>], vector<16xf32>, vector<16xi1>
          %slice3A_956 = vector.extract_strided_slice %get3A_195 {offsets = [8], sizes = [1], strides = [1]} : vector<16xi32> to vector<1xi32>
          %squeeze3A_957 = vector.extract %slice3A_956[0] : i32 from vector<1xi32>
          %mul3A_958 = arith.constant 16 : i32
          %mul3A_959 = arith.muli %scan3A_187, %mul3A_958 : i32
          %add3A_960 = arith.constant 8 : i32
          %add3A_961 = arith.addi %mul3A_959, %add3A_960 : i32
          %mul3A_962 = arith.constant 128 : i32
          %mul3A_963 = arith.muli %add3A_961, %mul3A_962 : i32
          %mul3A_964 = arith.constant 128 : i32
          %mul3A_965 = arith.muli %squeeze3A_957, %mul3A_964 : i32
          %add3A_966 = arith.constant 0 : i32
          %add3A_967 = arith.addi %mul3A_965, %add3A_966 : i32
          %add3A_968 = vector.broadcast %add3A_967 : i32 to vector<16xi32>
          %add3A_969 = arith.addi %add3A_968, %iota3A : vector<16xi32>
          %add3A_970 = arith.constant 0 : i32
          %add3A_971 = arith.addi %mul3A_963, %add3A_970 : i32
          %get3A_972 = arith.index_cast %add3A_971 : i32 to index
          %get3A_973 = tpu.vector_load %arg6[%get3A_972] {strides = array<i32>} : memref<51200xf32, #tpu.memory_space<vmem>>, vector<16xf32>,
          tpu.vector_store_idx %arg8[%add3A_969], %get3A_973 {add = true} : memref<4096xf32, #tpu.memory_space<vmem>>[vector<16xi32>], vector<16xf32>,
          %mul3A_974 = arith.constant 128 : i32
          %mul3A_975 = arith.muli %squeeze3A_957, %mul3A_974 : i32
          %add3A_976 = arith.constant 16 : i32
          %add3A_977 = arith.addi %mul3A_975, %add3A_976 : i32
          %add3A_978 = vector.broadcast %add3A_977 : i32 to vector<16xi32>
          %add3A_979 = arith.addi %add3A_978, %iota3A : vector<16xi32>
          %add3A_980 = arith.constant 16 : i32
          %add3A_981 = arith.addi %mul3A_963, %add3A_980 : i32
          %get3A_982 = arith.index_cast %add3A_981 : i32 to index
          %get3A_983 = tpu.vector_load %arg6[%get3A_982] {strides = array<i32>} : memref<51200xf32, #tpu.memory_space<vmem>>, vector<16xf32>,
          tpu.vector_store_idx %arg8[%add3A_979], %get3A_983 {add = true} : memref<4096xf32, #tpu.memory_space<vmem>>[vector<16xi32>], vector<16xf32>,
          %mul3A_984 = arith.constant 128 : i32
          %mul3A_985 = arith.muli %squeeze3A_957, %mul3A_984 : i32
          %add3A_986 = arith.constant 32 : i32
          %add3A_987 = arith.addi %mul3A_985, %add3A_986 : i32
          %add3A_988 = vector.broadcast %add3A_987 : i32 to vector<16xi32>
          %add3A_989 = arith.addi %add3A_988, %iota3A : vector<16xi32>
          %add3A_990 = arith.constant 32 : i32
          %add3A_991 = arith.addi %mul3A_963, %add3A_990 : i32
          %get3A_992 = arith.index_cast %add3A_991 : i32 to index
          %get3A_993 = tpu.vector_load %arg6[%get3A_992] {strides = array<i32>} : memref<51200xf32, #tpu.memory_space<vmem>>, vector<16xf32>,
          tpu.vector_store_idx %arg8[%add3A_989], %get3A_993 {add = true} : memref<4096xf32, #tpu.memory_space<vmem>>[vector<16xi32>], vector<16xf32>,
          %mul3A_994 = arith.constant 128 : i32
          %mul3A_995 = arith.muli %squeeze3A_957, %mul3A_994 : i32
          %add3A_996 = arith.constant 48 : i32
          %add3A_997 = arith.addi %mul3A_995, %add3A_996 : i32
          %add3A_998 = vector.broadcast %add3A_997 : i32 to vector<16xi32>
          %add3A_999 = arith.addi %add3A_998, %iota3A : vector<16xi32>
          %add3A_1000 = arith.constant 48 : i32
          %add3A_1001 = arith.addi %mul3A_963, %add3A_1000 : i32
          %get3A_1002 = arith.index_cast %add3A_1001 : i32 to index
          %get3A_1003 = tpu.vector_load %arg6[%get3A_1002] {strides = array<i32>} : memref<51200xf32, #tpu.memory_space<vmem>>, vector<16xf32>,
          tpu.vector_store_idx %arg8[%add3A_999], %get3A_1003 {add = true} : memref<4096xf32, #tpu.memory_space<vmem>>[vector<16xi32>], vector<16xf32>,
          %mul3A_1004 = arith.constant 128 : i32
          %mul3A_1005 = arith.muli %squeeze3A_957, %mul3A_1004 : i32
          %add3A_1006 = arith.constant 64 : i32
          %add3A_1007 = arith.addi %mul3A_1005, %add3A_1006 : i32
          %add3A_1008 = vector.broadcast %add3A_1007 : i32 to vector<16xi32>
          %add3A_1009 = arith.addi %add3A_1008, %iota3A : vector<16xi32>
          %add3A_1010 = arith.constant 64 : i32
          %add3A_1011 = arith.addi %mul3A_963, %add3A_1010 : i32
          %get3A_1012 = arith.index_cast %add3A_1011 : i32 to index
          %get3A_1013 = tpu.vector_load %arg6[%get3A_1012] {strides = array<i32>} : memref<51200xf32, #tpu.memory_space<vmem>>, vector<16xf32>,
          tpu.vector_store_idx %arg8[%add3A_1009], %get3A_1013 {add = true} : memref<4096xf32, #tpu.memory_space<vmem>>[vector<16xi32>], vector<16xf32>,
          %mul3A_1014 = arith.constant 128 : i32
          %mul3A_1015 = arith.muli %squeeze3A_957, %mul3A_1014 : i32
          %add3A_1016 = arith.constant 80 : i32
          %add3A_1017 = arith.addi %mul3A_1015, %add3A_1016 : i32
          %add3A_1018 = vector.broadcast %add3A_1017 : i32 to vector<16xi32>
          %add3A_1019 = arith.addi %add3A_1018, %iota3A : vector<16xi32>
          %add3A_1020 = arith.constant 80 : i32
          %add3A_1021 = arith.addi %mul3A_963, %add3A_1020 : i32
          %get3A_1022 = arith.index_cast %add3A_1021 : i32 to index
          %get3A_1023 = tpu.vector_load %arg6[%get3A_1022] {strides = array<i32>} : memref<51200xf32, #tpu.memory_space<vmem>>, vector<16xf32>,
          tpu.vector_store_idx %arg8[%add3A_1019], %get3A_1023 {add = true} : memref<4096xf32, #tpu.memory_space<vmem>>[vector<16xi32>], vector<16xf32>,
          %mul3A_1024 = arith.constant 128 : i32
          %mul3A_1025 = arith.muli %squeeze3A_957, %mul3A_1024 : i32
          %add3A_1026 = arith.constant 96 : i32
          %add3A_1027 = arith.addi %mul3A_1025, %add3A_1026 : i32
          %add3A_1028 = vector.broadcast %add3A_1027 : i32 to vector<16xi32>
          %add3A_1029 = arith.addi %add3A_1028, %iota3A : vector<16xi32>
          %add3A_1030 = arith.constant 96 : i32
          %add3A_1031 = arith.addi %mul3A_963, %add3A_1030 : i32
          %get3A_1032 = arith.index_cast %add3A_1031 : i32 to index
          %get3A_1033 = tpu.vector_load %arg6[%get3A_1032] {strides = array<i32>} : memref<51200xf32, #tpu.memory_space<vmem>>, vector<16xf32>,
          tpu.vector_store_idx %arg8[%add3A_1029], %get3A_1033 {add = true} : memref<4096xf32, #tpu.memory_space<vmem>>[vector<16xi32>], vector<16xf32>,
          %mul3A_1034 = arith.constant 128 : i32
          %mul3A_1035 = arith.muli %squeeze3A_957, %mul3A_1034 : i32
          %add3A_1036 = arith.constant 112 : i32
          %add3A_1037 = arith.addi %mul3A_1035, %add3A_1036 : i32
          %add3A_1038 = vector.broadcast %add3A_1037 : i32 to vector<16xi32>
          %add3A_1039 = arith.addi %add3A_1038, %iota3A : vector<16xi32>
          %add3A_1040 = arith.constant 112 : i32
          %add3A_1041 = arith.addi %mul3A_963, %add3A_1040 : i32
          %get3A_1042 = arith.index_cast %add3A_1041 : i32 to index
          %get3A_1043 = tpu.vector_load %arg6[%get3A_1042] {strides = array<i32>} : memref<51200xf32, #tpu.memory_space<vmem>>, vector<16xf32>,
          tpu.vector_store_idx %arg8[%add3A_1039], %get3A_1043 {add = true} : memref<4096xf32, #tpu.memory_space<vmem>>[vector<16xi32>], vector<16xf32>,
          %broadcast_in_dim3A_1044 = arith.constant 0 : i32
          %broadcast_in_dim3A_1045 = vector.broadcast %broadcast_in_dim3A_1044 : i32 to vector<16xi32>
          %add3A_1046 = vector.broadcast %squeeze3A_957 : i32 to vector<16xi32>
          %add3A_1047 = arith.addi %broadcast_in_dim3A_1045, %add3A_1046 : vector<16xi32>
          %add3A_1048 = arith.constant 1.000000e+00 : f32
          %add3A_1049 = vector.broadcast %add3A_1048 : f32 to vector<16xf32>
          %add3A_1050 = arith.addf %broadcast_in_dim3A_3, %add3A_1049 : vector<16xf32>
          tpu.vector_store_idx %arg9[%add3A_1047], %add3A_1050 masked %eq3A_5 {add = true} : memref<32xf32, #tpu.memory_space<vmem>>[vector<16xi32>], vector<16xf32>, vector<16xi1>
          %slice3A_1051 = vector.extract_strided_slice %get3A_195 {offsets = [9], sizes = [1], strides = [1]} : vector<16xi32> to vector<1xi32>
          %squeeze3A_1052 = vector.extract %slice3A_1051[0] : i32 from vector<1xi32>
          %mul3A_1053 = arith.constant 16 : i32
          %mul3A_1054 = arith.muli %scan3A_187, %mul3A_1053 : i32
          %add3A_1055 = arith.constant 9 : i32
          %add3A_1056 = arith.addi %mul3A_1054, %add3A_1055 : i32
          %mul3A_1057 = arith.constant 128 : i32
          %mul3A_1058 = arith.muli %add3A_1056, %mul3A_1057 : i32
          %mul3A_1059 = arith.constant 128 : i32
          %mul3A_1060 = arith.muli %squeeze3A_1052, %mul3A_1059 : i32
          %add3A_1061 = arith.constant 0 : i32
          %add3A_1062 = arith.addi %mul3A_1060, %add3A_1061 : i32
          %add3A_1063 = vector.broadcast %add3A_1062 : i32 to vector<16xi32>
          %add3A_1064 = arith.addi %add3A_1063, %iota3A : vector<16xi32>
          %add3A_1065 = arith.constant 0 : i32
          %add3A_1066 = arith.addi %mul3A_1058, %add3A_1065 : i32
          %get3A_1067 = arith.index_cast %add3A_1066 : i32 to index
          %get3A_1068 = tpu.vector_load %arg6[%get3A_1067] {strides = array<i32>} : memref<51200xf32, #tpu.memory_space<vmem>>, vector<16xf32>,
          tpu.vector_store_idx %arg8[%add3A_1064], %get3A_1068 {add = true} : memref<4096xf32, #tpu.memory_space<vmem>>[vector<16xi32>], vector<16xf32>,
          %mul3A_1069 = arith.constant 128 : i32
          %mul3A_1070 = arith.muli %squeeze3A_1052, %mul3A_1069 : i32
          %add3A_1071 = arith.constant 16 : i32
          %add3A_1072 = arith.addi %mul3A_1070, %add3A_1071 : i32
          %add3A_1073 = vector.broadcast %add3A_1072 : i32 to vector<16xi32>
          %add3A_1074 = arith.addi %add3A_1073, %iota3A : vector<16xi32>
          %add3A_1075 = arith.constant 16 : i32
          %add3A_1076 = arith.addi %mul3A_1058, %add3A_1075 : i32
          %get3A_1077 = arith.index_cast %add3A_1076 : i32 to index
          %get3A_1078 = tpu.vector_load %arg6[%get3A_1077] {strides = array<i32>} : memref<51200xf32, #tpu.memory_space<vmem>>, vector<16xf32>,
          tpu.vector_store_idx %arg8[%add3A_1074], %get3A_1078 {add = true} : memref<4096xf32, #tpu.memory_space<vmem>>[vector<16xi32>], vector<16xf32>,
          %mul3A_1079 = arith.constant 128 : i32
          %mul3A_1080 = arith.muli %squeeze3A_1052, %mul3A_1079 : i32
          %add3A_1081 = arith.constant 32 : i32
          %add3A_1082 = arith.addi %mul3A_1080, %add3A_1081 : i32
          %add3A_1083 = vector.broadcast %add3A_1082 : i32 to vector<16xi32>
          %add3A_1084 = arith.addi %add3A_1083, %iota3A : vector<16xi32>
          %add3A_1085 = arith.constant 32 : i32
          %add3A_1086 = arith.addi %mul3A_1058, %add3A_1085 : i32
          %get3A_1087 = arith.index_cast %add3A_1086 : i32 to index
          %get3A_1088 = tpu.vector_load %arg6[%get3A_1087] {strides = array<i32>} : memref<51200xf32, #tpu.memory_space<vmem>>, vector<16xf32>,
          tpu.vector_store_idx %arg8[%add3A_1084], %get3A_1088 {add = true} : memref<4096xf32, #tpu.memory_space<vmem>>[vector<16xi32>], vector<16xf32>,
          %mul3A_1089 = arith.constant 128 : i32
          %mul3A_1090 = arith.muli %squeeze3A_1052, %mul3A_1089 : i32
          %add3A_1091 = arith.constant 48 : i32
          %add3A_1092 = arith.addi %mul3A_1090, %add3A_1091 : i32
          %add3A_1093 = vector.broadcast %add3A_1092 : i32 to vector<16xi32>
          %add3A_1094 = arith.addi %add3A_1093, %iota3A : vector<16xi32>
          %add3A_1095 = arith.constant 48 : i32
          %add3A_1096 = arith.addi %mul3A_1058, %add3A_1095 : i32
          %get3A_1097 = arith.index_cast %add3A_1096 : i32 to index
          %get3A_1098 = tpu.vector_load %arg6[%get3A_1097] {strides = array<i32>} : memref<51200xf32, #tpu.memory_space<vmem>>, vector<16xf32>,
          tpu.vector_store_idx %arg8[%add3A_1094], %get3A_1098 {add = true} : memref<4096xf32, #tpu.memory_space<vmem>>[vector<16xi32>], vector<16xf32>,
          %mul3A_1099 = arith.constant 128 : i32
          %mul3A_1100 = arith.muli %squeeze3A_1052, %mul3A_1099 : i32
          %add3A_1101 = arith.constant 64 : i32
          %add3A_1102 = arith.addi %mul3A_1100, %add3A_1101 : i32
          %add3A_1103 = vector.broadcast %add3A_1102 : i32 to vector<16xi32>
          %add3A_1104 = arith.addi %add3A_1103, %iota3A : vector<16xi32>
          %add3A_1105 = arith.constant 64 : i32
          %add3A_1106 = arith.addi %mul3A_1058, %add3A_1105 : i32
          %get3A_1107 = arith.index_cast %add3A_1106 : i32 to index
          %get3A_1108 = tpu.vector_load %arg6[%get3A_1107] {strides = array<i32>} : memref<51200xf32, #tpu.memory_space<vmem>>, vector<16xf32>,
          tpu.vector_store_idx %arg8[%add3A_1104], %get3A_1108 {add = true} : memref<4096xf32, #tpu.memory_space<vmem>>[vector<16xi32>], vector<16xf32>,
          %mul3A_1109 = arith.constant 128 : i32
          %mul3A_1110 = arith.muli %squeeze3A_1052, %mul3A_1109 : i32
          %add3A_1111 = arith.constant 80 : i32
          %add3A_1112 = arith.addi %mul3A_1110, %add3A_1111 : i32
          %add3A_1113 = vector.broadcast %add3A_1112 : i32 to vector<16xi32>
          %add3A_1114 = arith.addi %add3A_1113, %iota3A : vector<16xi32>
          %add3A_1115 = arith.constant 80 : i32
          %add3A_1116 = arith.addi %mul3A_1058, %add3A_1115 : i32
          %get3A_1117 = arith.index_cast %add3A_1116 : i32 to index
          %get3A_1118 = tpu.vector_load %arg6[%get3A_1117] {strides = array<i32>} : memref<51200xf32, #tpu.memory_space<vmem>>, vector<16xf32>,
          tpu.vector_store_idx %arg8[%add3A_1114], %get3A_1118 {add = true} : memref<4096xf32, #tpu.memory_space<vmem>>[vector<16xi32>], vector<16xf32>,
          %mul3A_1119 = arith.constant 128 : i32
          %mul3A_1120 = arith.muli %squeeze3A_1052, %mul3A_1119 : i32
          %add3A_1121 = arith.constant 96 : i32
          %add3A_1122 = arith.addi %mul3A_1120, %add3A_1121 : i32
          %add3A_1123 = vector.broadcast %add3A_1122 : i32 to vector<16xi32>
          %add3A_1124 = arith.addi %add3A_1123, %iota3A : vector<16xi32>
          %add3A_1125 = arith.constant 96 : i32
          %add3A_1126 = arith.addi %mul3A_1058, %add3A_1125 : i32
          %get3A_1127 = arith.index_cast %add3A_1126 : i32 to index
          %get3A_1128 = tpu.vector_load %arg6[%get3A_1127] {strides = array<i32>} : memref<51200xf32, #tpu.memory_space<vmem>>, vector<16xf32>,
          tpu.vector_store_idx %arg8[%add3A_1124], %get3A_1128 {add = true} : memref<4096xf32, #tpu.memory_space<vmem>>[vector<16xi32>], vector<16xf32>,
          %mul3A_1129 = arith.constant 128 : i32
          %mul3A_1130 = arith.muli %squeeze3A_1052, %mul3A_1129 : i32
          %add3A_1131 = arith.constant 112 : i32
          %add3A_1132 = arith.addi %mul3A_1130, %add3A_1131 : i32
          %add3A_1133 = vector.broadcast %add3A_1132 : i32 to vector<16xi32>
          %add3A_1134 = arith.addi %add3A_1133, %iota3A : vector<16xi32>
          %add3A_1135 = arith.constant 112 : i32
          %add3A_1136 = arith.addi %mul3A_1058, %add3A_1135 : i32
          %get3A_1137 = arith.index_cast %add3A_1136 : i32 to index
          %get3A_1138 = tpu.vector_load %arg6[%get3A_1137] {strides = array<i32>} : memref<51200xf32, #tpu.memory_space<vmem>>, vector<16xf32>,
          tpu.vector_store_idx %arg8[%add3A_1134], %get3A_1138 {add = true} : memref<4096xf32, #tpu.memory_space<vmem>>[vector<16xi32>], vector<16xf32>,
          %broadcast_in_dim3A_1139 = arith.constant 0 : i32
          %broadcast_in_dim3A_1140 = vector.broadcast %broadcast_in_dim3A_1139 : i32 to vector<16xi32>
          %add3A_1141 = vector.broadcast %squeeze3A_1052 : i32 to vector<16xi32>
          %add3A_1142 = arith.addi %broadcast_in_dim3A_1140, %add3A_1141 : vector<16xi32>
          %add3A_1143 = arith.constant 1.000000e+00 : f32
          %add3A_1144 = vector.broadcast %add3A_1143 : f32 to vector<16xf32>
          %add3A_1145 = arith.addf %broadcast_in_dim3A_3, %add3A_1144 : vector<16xf32>
          tpu.vector_store_idx %arg9[%add3A_1142], %add3A_1145 masked %eq3A_5 {add = true} : memref<32xf32, #tpu.memory_space<vmem>>[vector<16xi32>], vector<16xf32>, vector<16xi1>
          %slice3A_1146 = vector.extract_strided_slice %get3A_195 {offsets = [10], sizes = [1], strides = [1]} : vector<16xi32> to vector<1xi32>
          %squeeze3A_1147 = vector.extract %slice3A_1146[0] : i32 from vector<1xi32>
          %mul3A_1148 = arith.constant 16 : i32
          %mul3A_1149 = arith.muli %scan3A_187, %mul3A_1148 : i32
          %add3A_1150 = arith.constant 10 : i32
          %add3A_1151 = arith.addi %mul3A_1149, %add3A_1150 : i32
          %mul3A_1152 = arith.constant 128 : i32
          %mul3A_1153 = arith.muli %add3A_1151, %mul3A_1152 : i32
          %mul3A_1154 = arith.constant 128 : i32
          %mul3A_1155 = arith.muli %squeeze3A_1147, %mul3A_1154 : i32
          %add3A_1156 = arith.constant 0 : i32
          %add3A_1157 = arith.addi %mul3A_1155, %add3A_1156 : i32
          %add3A_1158 = vector.broadcast %add3A_1157 : i32 to vector<16xi32>
          %add3A_1159 = arith.addi %add3A_1158, %iota3A : vector<16xi32>
          %add3A_1160 = arith.constant 0 : i32
          %add3A_1161 = arith.addi %mul3A_1153, %add3A_1160 : i32
          %get3A_1162 = arith.index_cast %add3A_1161 : i32 to index
          %get3A_1163 = tpu.vector_load %arg6[%get3A_1162] {strides = array<i32>} : memref<51200xf32, #tpu.memory_space<vmem>>, vector<16xf32>,
          tpu.vector_store_idx %arg8[%add3A_1159], %get3A_1163 {add = true} : memref<4096xf32, #tpu.memory_space<vmem>>[vector<16xi32>], vector<16xf32>,
          %mul3A_1164 = arith.constant 128 : i32
          %mul3A_1165 = arith.muli %squeeze3A_1147, %mul3A_1164 : i32
          %add3A_1166 = arith.constant 16 : i32
          %add3A_1167 = arith.addi %mul3A_1165, %add3A_1166 : i32
          %add3A_1168 = vector.broadcast %add3A_1167 : i32 to vector<16xi32>
          %add3A_1169 = arith.addi %add3A_1168, %iota3A : vector<16xi32>
          %add3A_1170 = arith.constant 16 : i32
          %add3A_1171 = arith.addi %mul3A_1153, %add3A_1170 : i32
          %get3A_1172 = arith.index_cast %add3A_1171 : i32 to index
          %get3A_1173 = tpu.vector_load %arg6[%get3A_1172] {strides = array<i32>} : memref<51200xf32, #tpu.memory_space<vmem>>, vector<16xf32>,
          tpu.vector_store_idx %arg8[%add3A_1169], %get3A_1173 {add = true} : memref<4096xf32, #tpu.memory_space<vmem>>[vector<16xi32>], vector<16xf32>,
          %mul3A_1174 = arith.constant 128 : i32
          %mul3A_1175 = arith.muli %squeeze3A_1147, %mul3A_1174 : i32
          %add3A_1176 = arith.constant 32 : i32
          %add3A_1177 = arith.addi %mul3A_1175, %add3A_1176 : i32
          %add3A_1178 = vector.broadcast %add3A_1177 : i32 to vector<16xi32>
          %add3A_1179 = arith.addi %add3A_1178, %iota3A : vector<16xi32>
          %add3A_1180 = arith.constant 32 : i32
          %add3A_1181 = arith.addi %mul3A_1153, %add3A_1180 : i32
          %get3A_1182 = arith.index_cast %add3A_1181 : i32 to index
          %get3A_1183 = tpu.vector_load %arg6[%get3A_1182] {strides = array<i32>} : memref<51200xf32, #tpu.memory_space<vmem>>, vector<16xf32>,
          tpu.vector_store_idx %arg8[%add3A_1179], %get3A_1183 {add = true} : memref<4096xf32, #tpu.memory_space<vmem>>[vector<16xi32>], vector<16xf32>,
          %mul3A_1184 = arith.constant 128 : i32
          %mul3A_1185 = arith.muli %squeeze3A_1147, %mul3A_1184 : i32
          %add3A_1186 = arith.constant 48 : i32
          %add3A_1187 = arith.addi %mul3A_1185, %add3A_1186 : i32
          %add3A_1188 = vector.broadcast %add3A_1187 : i32 to vector<16xi32>
          %add3A_1189 = arith.addi %add3A_1188, %iota3A : vector<16xi32>
          %add3A_1190 = arith.constant 48 : i32
          %add3A_1191 = arith.addi %mul3A_1153, %add3A_1190 : i32
          %get3A_1192 = arith.index_cast %add3A_1191 : i32 to index
          %get3A_1193 = tpu.vector_load %arg6[%get3A_1192] {strides = array<i32>} : memref<51200xf32, #tpu.memory_space<vmem>>, vector<16xf32>,
          tpu.vector_store_idx %arg8[%add3A_1189], %get3A_1193 {add = true} : memref<4096xf32, #tpu.memory_space<vmem>>[vector<16xi32>], vector<16xf32>,
          %mul3A_1194 = arith.constant 128 : i32
          %mul3A_1195 = arith.muli %squeeze3A_1147, %mul3A_1194 : i32
          %add3A_1196 = arith.constant 64 : i32
          %add3A_1197 = arith.addi %mul3A_1195, %add3A_1196 : i32
          %add3A_1198 = vector.broadcast %add3A_1197 : i32 to vector<16xi32>
          %add3A_1199 = arith.addi %add3A_1198, %iota3A : vector<16xi32>
          %add3A_1200 = arith.constant 64 : i32
          %add3A_1201 = arith.addi %mul3A_1153, %add3A_1200 : i32
          %get3A_1202 = arith.index_cast %add3A_1201 : i32 to index
          %get3A_1203 = tpu.vector_load %arg6[%get3A_1202] {strides = array<i32>} : memref<51200xf32, #tpu.memory_space<vmem>>, vector<16xf32>,
          tpu.vector_store_idx %arg8[%add3A_1199], %get3A_1203 {add = true} : memref<4096xf32, #tpu.memory_space<vmem>>[vector<16xi32>], vector<16xf32>,
          %mul3A_1204 = arith.constant 128 : i32
          %mul3A_1205 = arith.muli %squeeze3A_1147, %mul3A_1204 : i32
          %add3A_1206 = arith.constant 80 : i32
          %add3A_1207 = arith.addi %mul3A_1205, %add3A_1206 : i32
          %add3A_1208 = vector.broadcast %add3A_1207 : i32 to vector<16xi32>
          %add3A_1209 = arith.addi %add3A_1208, %iota3A : vector<16xi32>
          %add3A_1210 = arith.constant 80 : i32
          %add3A_1211 = arith.addi %mul3A_1153, %add3A_1210 : i32
          %get3A_1212 = arith.index_cast %add3A_1211 : i32 to index
          %get3A_1213 = tpu.vector_load %arg6[%get3A_1212] {strides = array<i32>} : memref<51200xf32, #tpu.memory_space<vmem>>, vector<16xf32>,
          tpu.vector_store_idx %arg8[%add3A_1209], %get3A_1213 {add = true} : memref<4096xf32, #tpu.memory_space<vmem>>[vector<16xi32>], vector<16xf32>,
          %mul3A_1214 = arith.constant 128 : i32
          %mul3A_1215 = arith.muli %squeeze3A_1147, %mul3A_1214 : i32
          %add3A_1216 = arith.constant 96 : i32
          %add3A_1217 = arith.addi %mul3A_1215, %add3A_1216 : i32
          %add3A_1218 = vector.broadcast %add3A_1217 : i32 to vector<16xi32>
          %add3A_1219 = arith.addi %add3A_1218, %iota3A : vector<16xi32>
          %add3A_1220 = arith.constant 96 : i32
          %add3A_1221 = arith.addi %mul3A_1153, %add3A_1220 : i32
          %get3A_1222 = arith.index_cast %add3A_1221 : i32 to index
          %get3A_1223 = tpu.vector_load %arg6[%get3A_1222] {strides = array<i32>} : memref<51200xf32, #tpu.memory_space<vmem>>, vector<16xf32>,
          tpu.vector_store_idx %arg8[%add3A_1219], %get3A_1223 {add = true} : memref<4096xf32, #tpu.memory_space<vmem>>[vector<16xi32>], vector<16xf32>,
          %mul3A_1224 = arith.constant 128 : i32
          %mul3A_1225 = arith.muli %squeeze3A_1147, %mul3A_1224 : i32
          %add3A_1226 = arith.constant 112 : i32
          %add3A_1227 = arith.addi %mul3A_1225, %add3A_1226 : i32
          %add3A_1228 = vector.broadcast %add3A_1227 : i32 to vector<16xi32>
          %add3A_1229 = arith.addi %add3A_1228, %iota3A : vector<16xi32>
          %add3A_1230 = arith.constant 112 : i32
          %add3A_1231 = arith.addi %mul3A_1153, %add3A_1230 : i32
          %get3A_1232 = arith.index_cast %add3A_1231 : i32 to index
          %get3A_1233 = tpu.vector_load %arg6[%get3A_1232] {strides = array<i32>} : memref<51200xf32, #tpu.memory_space<vmem>>, vector<16xf32>,
          tpu.vector_store_idx %arg8[%add3A_1229], %get3A_1233 {add = true} : memref<4096xf32, #tpu.memory_space<vmem>>[vector<16xi32>], vector<16xf32>,
          %broadcast_in_dim3A_1234 = arith.constant 0 : i32
          %broadcast_in_dim3A_1235 = vector.broadcast %broadcast_in_dim3A_1234 : i32 to vector<16xi32>
          %add3A_1236 = vector.broadcast %squeeze3A_1147 : i32 to vector<16xi32>
          %add3A_1237 = arith.addi %broadcast_in_dim3A_1235, %add3A_1236 : vector<16xi32>
          %add3A_1238 = arith.constant 1.000000e+00 : f32
          %add3A_1239 = vector.broadcast %add3A_1238 : f32 to vector<16xf32>
          %add3A_1240 = arith.addf %broadcast_in_dim3A_3, %add3A_1239 : vector<16xf32>
          tpu.vector_store_idx %arg9[%add3A_1237], %add3A_1240 masked %eq3A_5 {add = true} : memref<32xf32, #tpu.memory_space<vmem>>[vector<16xi32>], vector<16xf32>, vector<16xi1>
          %slice3A_1241 = vector.extract_strided_slice %get3A_195 {offsets = [11], sizes = [1], strides = [1]} : vector<16xi32> to vector<1xi32>
          %squeeze3A_1242 = vector.extract %slice3A_1241[0] : i32 from vector<1xi32>
          %mul3A_1243 = arith.constant 16 : i32
          %mul3A_1244 = arith.muli %scan3A_187, %mul3A_1243 : i32
          %add3A_1245 = arith.constant 11 : i32
          %add3A_1246 = arith.addi %mul3A_1244, %add3A_1245 : i32
          %mul3A_1247 = arith.constant 128 : i32
          %mul3A_1248 = arith.muli %add3A_1246, %mul3A_1247 : i32
          %mul3A_1249 = arith.constant 128 : i32
          %mul3A_1250 = arith.muli %squeeze3A_1242, %mul3A_1249 : i32
          %add3A_1251 = arith.constant 0 : i32
          %add3A_1252 = arith.addi %mul3A_1250, %add3A_1251 : i32
          %add3A_1253 = vector.broadcast %add3A_1252 : i32 to vector<16xi32>
          %add3A_1254 = arith.addi %add3A_1253, %iota3A : vector<16xi32>
          %add3A_1255 = arith.constant 0 : i32
          %add3A_1256 = arith.addi %mul3A_1248, %add3A_1255 : i32
          %get3A_1257 = arith.index_cast %add3A_1256 : i32 to index
          %get3A_1258 = tpu.vector_load %arg6[%get3A_1257] {strides = array<i32>} : memref<51200xf32, #tpu.memory_space<vmem>>, vector<16xf32>,
          tpu.vector_store_idx %arg8[%add3A_1254], %get3A_1258 {add = true} : memref<4096xf32, #tpu.memory_space<vmem>>[vector<16xi32>], vector<16xf32>,
          %mul3A_1259 = arith.constant 128 : i32
          %mul3A_1260 = arith.muli %squeeze3A_1242, %mul3A_1259 : i32
          %add3A_1261 = arith.constant 16 : i32
          %add3A_1262 = arith.addi %mul3A_1260, %add3A_1261 : i32
          %add3A_1263 = vector.broadcast %add3A_1262 : i32 to vector<16xi32>
          %add3A_1264 = arith.addi %add3A_1263, %iota3A : vector<16xi32>
          %add3A_1265 = arith.constant 16 : i32
          %add3A_1266 = arith.addi %mul3A_1248, %add3A_1265 : i32
          %get3A_1267 = arith.index_cast %add3A_1266 : i32 to index
          %get3A_1268 = tpu.vector_load %arg6[%get3A_1267] {strides = array<i32>} : memref<51200xf32, #tpu.memory_space<vmem>>, vector<16xf32>,
          tpu.vector_store_idx %arg8[%add3A_1264], %get3A_1268 {add = true} : memref<4096xf32, #tpu.memory_space<vmem>>[vector<16xi32>], vector<16xf32>,
          %mul3A_1269 = arith.constant 128 : i32
          %mul3A_1270 = arith.muli %squeeze3A_1242, %mul3A_1269 : i32
          %add3A_1271 = arith.constant 32 : i32
          %add3A_1272 = arith.addi %mul3A_1270, %add3A_1271 : i32
          %add3A_1273 = vector.broadcast %add3A_1272 : i32 to vector<16xi32>
          %add3A_1274 = arith.addi %add3A_1273, %iota3A : vector<16xi32>
          %add3A_1275 = arith.constant 32 : i32
          %add3A_1276 = arith.addi %mul3A_1248, %add3A_1275 : i32
          %get3A_1277 = arith.index_cast %add3A_1276 : i32 to index
          %get3A_1278 = tpu.vector_load %arg6[%get3A_1277] {strides = array<i32>} : memref<51200xf32, #tpu.memory_space<vmem>>, vector<16xf32>,
          tpu.vector_store_idx %arg8[%add3A_1274], %get3A_1278 {add = true} : memref<4096xf32, #tpu.memory_space<vmem>>[vector<16xi32>], vector<16xf32>,
          %mul3A_1279 = arith.constant 128 : i32
          %mul3A_1280 = arith.muli %squeeze3A_1242, %mul3A_1279 : i32
          %add3A_1281 = arith.constant 48 : i32
          %add3A_1282 = arith.addi %mul3A_1280, %add3A_1281 : i32
          %add3A_1283 = vector.broadcast %add3A_1282 : i32 to vector<16xi32>
          %add3A_1284 = arith.addi %add3A_1283, %iota3A : vector<16xi32>
          %add3A_1285 = arith.constant 48 : i32
          %add3A_1286 = arith.addi %mul3A_1248, %add3A_1285 : i32
          %get3A_1287 = arith.index_cast %add3A_1286 : i32 to index
          %get3A_1288 = tpu.vector_load %arg6[%get3A_1287] {strides = array<i32>} : memref<51200xf32, #tpu.memory_space<vmem>>, vector<16xf32>,
          tpu.vector_store_idx %arg8[%add3A_1284], %get3A_1288 {add = true} : memref<4096xf32, #tpu.memory_space<vmem>>[vector<16xi32>], vector<16xf32>,
          %mul3A_1289 = arith.constant 128 : i32
          %mul3A_1290 = arith.muli %squeeze3A_1242, %mul3A_1289 : i32
          %add3A_1291 = arith.constant 64 : i32
          %add3A_1292 = arith.addi %mul3A_1290, %add3A_1291 : i32
          %add3A_1293 = vector.broadcast %add3A_1292 : i32 to vector<16xi32>
          %add3A_1294 = arith.addi %add3A_1293, %iota3A : vector<16xi32>
          %add3A_1295 = arith.constant 64 : i32
          %add3A_1296 = arith.addi %mul3A_1248, %add3A_1295 : i32
          %get3A_1297 = arith.index_cast %add3A_1296 : i32 to index
          %get3A_1298 = tpu.vector_load %arg6[%get3A_1297] {strides = array<i32>} : memref<51200xf32, #tpu.memory_space<vmem>>, vector<16xf32>,
          tpu.vector_store_idx %arg8[%add3A_1294], %get3A_1298 {add = true} : memref<4096xf32, #tpu.memory_space<vmem>>[vector<16xi32>], vector<16xf32>,
          %mul3A_1299 = arith.constant 128 : i32
          %mul3A_1300 = arith.muli %squeeze3A_1242, %mul3A_1299 : i32
          %add3A_1301 = arith.constant 80 : i32
          %add3A_1302 = arith.addi %mul3A_1300, %add3A_1301 : i32
          %add3A_1303 = vector.broadcast %add3A_1302 : i32 to vector<16xi32>
          %add3A_1304 = arith.addi %add3A_1303, %iota3A : vector<16xi32>
          %add3A_1305 = arith.constant 80 : i32
          %add3A_1306 = arith.addi %mul3A_1248, %add3A_1305 : i32
          %get3A_1307 = arith.index_cast %add3A_1306 : i32 to index
          %get3A_1308 = tpu.vector_load %arg6[%get3A_1307] {strides = array<i32>} : memref<51200xf32, #tpu.memory_space<vmem>>, vector<16xf32>,
          tpu.vector_store_idx %arg8[%add3A_1304], %get3A_1308 {add = true} : memref<4096xf32, #tpu.memory_space<vmem>>[vector<16xi32>], vector<16xf32>,
          %mul3A_1309 = arith.constant 128 : i32
          %mul3A_1310 = arith.muli %squeeze3A_1242, %mul3A_1309 : i32
          %add3A_1311 = arith.constant 96 : i32
          %add3A_1312 = arith.addi %mul3A_1310, %add3A_1311 : i32
          %add3A_1313 = vector.broadcast %add3A_1312 : i32 to vector<16xi32>
          %add3A_1314 = arith.addi %add3A_1313, %iota3A : vector<16xi32>
          %add3A_1315 = arith.constant 96 : i32
          %add3A_1316 = arith.addi %mul3A_1248, %add3A_1315 : i32
          %get3A_1317 = arith.index_cast %add3A_1316 : i32 to index
          %get3A_1318 = tpu.vector_load %arg6[%get3A_1317] {strides = array<i32>} : memref<51200xf32, #tpu.memory_space<vmem>>, vector<16xf32>,
          tpu.vector_store_idx %arg8[%add3A_1314], %get3A_1318 {add = true} : memref<4096xf32, #tpu.memory_space<vmem>>[vector<16xi32>], vector<16xf32>,
          %mul3A_1319 = arith.constant 128 : i32
          %mul3A_1320 = arith.muli %squeeze3A_1242, %mul3A_1319 : i32
          %add3A_1321 = arith.constant 112 : i32
          %add3A_1322 = arith.addi %mul3A_1320, %add3A_1321 : i32
          %add3A_1323 = vector.broadcast %add3A_1322 : i32 to vector<16xi32>
          %add3A_1324 = arith.addi %add3A_1323, %iota3A : vector<16xi32>
          %add3A_1325 = arith.constant 112 : i32
          %add3A_1326 = arith.addi %mul3A_1248, %add3A_1325 : i32
          %get3A_1327 = arith.index_cast %add3A_1326 : i32 to index
          %get3A_1328 = tpu.vector_load %arg6[%get3A_1327] {strides = array<i32>} : memref<51200xf32, #tpu.memory_space<vmem>>, vector<16xf32>,
          tpu.vector_store_idx %arg8[%add3A_1324], %get3A_1328 {add = true} : memref<4096xf32, #tpu.memory_space<vmem>>[vector<16xi32>], vector<16xf32>,
          %broadcast_in_dim3A_1329 = arith.constant 0 : i32
          %broadcast_in_dim3A_1330 = vector.broadcast %broadcast_in_dim3A_1329 : i32 to vector<16xi32>
          %add3A_1331 = vector.broadcast %squeeze3A_1242 : i32 to vector<16xi32>
          %add3A_1332 = arith.addi %broadcast_in_dim3A_1330, %add3A_1331 : vector<16xi32>
          %add3A_1333 = arith.constant 1.000000e+00 : f32
          %add3A_1334 = vector.broadcast %add3A_1333 : f32 to vector<16xf32>
          %add3A_1335 = arith.addf %broadcast_in_dim3A_3, %add3A_1334 : vector<16xf32>
          tpu.vector_store_idx %arg9[%add3A_1332], %add3A_1335 masked %eq3A_5 {add = true} : memref<32xf32, #tpu.memory_space<vmem>>[vector<16xi32>], vector<16xf32>, vector<16xi1>
          %slice3A_1336 = vector.extract_strided_slice %get3A_195 {offsets = [12], sizes = [1], strides = [1]} : vector<16xi32> to vector<1xi32>
          %squeeze3A_1337 = vector.extract %slice3A_1336[0] : i32 from vector<1xi32>
          %mul3A_1338 = arith.constant 16 : i32
          %mul3A_1339 = arith.muli %scan3A_187, %mul3A_1338 : i32
          %add3A_1340 = arith.constant 12 : i32
          %add3A_1341 = arith.addi %mul3A_1339, %add3A_1340 : i32
          %mul3A_1342 = arith.constant 128 : i32
          %mul3A_1343 = arith.muli %add3A_1341, %mul3A_1342 : i32
          %mul3A_1344 = arith.constant 128 : i32
          %mul3A_1345 = arith.muli %squeeze3A_1337, %mul3A_1344 : i32
          %add3A_1346 = arith.constant 0 : i32
          %add3A_1347 = arith.addi %mul3A_1345, %add3A_1346 : i32
          %add3A_1348 = vector.broadcast %add3A_1347 : i32 to vector<16xi32>
          %add3A_1349 = arith.addi %add3A_1348, %iota3A : vector<16xi32>
          %add3A_1350 = arith.constant 0 : i32
          %add3A_1351 = arith.addi %mul3A_1343, %add3A_1350 : i32
          %get3A_1352 = arith.index_cast %add3A_1351 : i32 to index
          %get3A_1353 = tpu.vector_load %arg6[%get3A_1352] {strides = array<i32>} : memref<51200xf32, #tpu.memory_space<vmem>>, vector<16xf32>,
          tpu.vector_store_idx %arg8[%add3A_1349], %get3A_1353 {add = true} : memref<4096xf32, #tpu.memory_space<vmem>>[vector<16xi32>], vector<16xf32>,
          %mul3A_1354 = arith.constant 128 : i32
          %mul3A_1355 = arith.muli %squeeze3A_1337, %mul3A_1354 : i32
          %add3A_1356 = arith.constant 16 : i32
          %add3A_1357 = arith.addi %mul3A_1355, %add3A_1356 : i32
          %add3A_1358 = vector.broadcast %add3A_1357 : i32 to vector<16xi32>
          %add3A_1359 = arith.addi %add3A_1358, %iota3A : vector<16xi32>
          %add3A_1360 = arith.constant 16 : i32
          %add3A_1361 = arith.addi %mul3A_1343, %add3A_1360 : i32
          %get3A_1362 = arith.index_cast %add3A_1361 : i32 to index
          %get3A_1363 = tpu.vector_load %arg6[%get3A_1362] {strides = array<i32>} : memref<51200xf32, #tpu.memory_space<vmem>>, vector<16xf32>,
          tpu.vector_store_idx %arg8[%add3A_1359], %get3A_1363 {add = true} : memref<4096xf32, #tpu.memory_space<vmem>>[vector<16xi32>], vector<16xf32>,
          %mul3A_1364 = arith.constant 128 : i32
          %mul3A_1365 = arith.muli %squeeze3A_1337, %mul3A_1364 : i32
          %add3A_1366 = arith.constant 32 : i32
          %add3A_1367 = arith.addi %mul3A_1365, %add3A_1366 : i32
          %add3A_1368 = vector.broadcast %add3A_1367 : i32 to vector<16xi32>
          %add3A_1369 = arith.addi %add3A_1368, %iota3A : vector<16xi32>
          %add3A_1370 = arith.constant 32 : i32
          %add3A_1371 = arith.addi %mul3A_1343, %add3A_1370 : i32
          %get3A_1372 = arith.index_cast %add3A_1371 : i32 to index
          %get3A_1373 = tpu.vector_load %arg6[%get3A_1372] {strides = array<i32>} : memref<51200xf32, #tpu.memory_space<vmem>>, vector<16xf32>,
          tpu.vector_store_idx %arg8[%add3A_1369], %get3A_1373 {add = true} : memref<4096xf32, #tpu.memory_space<vmem>>[vector<16xi32>], vector<16xf32>,
          %mul3A_1374 = arith.constant 128 : i32
          %mul3A_1375 = arith.muli %squeeze3A_1337, %mul3A_1374 : i32
          %add3A_1376 = arith.constant 48 : i32
          %add3A_1377 = arith.addi %mul3A_1375, %add3A_1376 : i32
          %add3A_1378 = vector.broadcast %add3A_1377 : i32 to vector<16xi32>
          %add3A_1379 = arith.addi %add3A_1378, %iota3A : vector<16xi32>
          %add3A_1380 = arith.constant 48 : i32
          %add3A_1381 = arith.addi %mul3A_1343, %add3A_1380 : i32
          %get3A_1382 = arith.index_cast %add3A_1381 : i32 to index
          %get3A_1383 = tpu.vector_load %arg6[%get3A_1382] {strides = array<i32>} : memref<51200xf32, #tpu.memory_space<vmem>>, vector<16xf32>,
          tpu.vector_store_idx %arg8[%add3A_1379], %get3A_1383 {add = true} : memref<4096xf32, #tpu.memory_space<vmem>>[vector<16xi32>], vector<16xf32>,
          %mul3A_1384 = arith.constant 128 : i32
          %mul3A_1385 = arith.muli %squeeze3A_1337, %mul3A_1384 : i32
          %add3A_1386 = arith.constant 64 : i32
          %add3A_1387 = arith.addi %mul3A_1385, %add3A_1386 : i32
          %add3A_1388 = vector.broadcast %add3A_1387 : i32 to vector<16xi32>
          %add3A_1389 = arith.addi %add3A_1388, %iota3A : vector<16xi32>
          %add3A_1390 = arith.constant 64 : i32
          %add3A_1391 = arith.addi %mul3A_1343, %add3A_1390 : i32
          %get3A_1392 = arith.index_cast %add3A_1391 : i32 to index
          %get3A_1393 = tpu.vector_load %arg6[%get3A_1392] {strides = array<i32>} : memref<51200xf32, #tpu.memory_space<vmem>>, vector<16xf32>,
          tpu.vector_store_idx %arg8[%add3A_1389], %get3A_1393 {add = true} : memref<4096xf32, #tpu.memory_space<vmem>>[vector<16xi32>], vector<16xf32>,
          %mul3A_1394 = arith.constant 128 : i32
          %mul3A_1395 = arith.muli %squeeze3A_1337, %mul3A_1394 : i32
          %add3A_1396 = arith.constant 80 : i32
          %add3A_1397 = arith.addi %mul3A_1395, %add3A_1396 : i32
          %add3A_1398 = vector.broadcast %add3A_1397 : i32 to vector<16xi32>
          %add3A_1399 = arith.addi %add3A_1398, %iota3A : vector<16xi32>
          %add3A_1400 = arith.constant 80 : i32
          %add3A_1401 = arith.addi %mul3A_1343, %add3A_1400 : i32
          %get3A_1402 = arith.index_cast %add3A_1401 : i32 to index
          %get3A_1403 = tpu.vector_load %arg6[%get3A_1402] {strides = array<i32>} : memref<51200xf32, #tpu.memory_space<vmem>>, vector<16xf32>,
          tpu.vector_store_idx %arg8[%add3A_1399], %get3A_1403 {add = true} : memref<4096xf32, #tpu.memory_space<vmem>>[vector<16xi32>], vector<16xf32>,
          %mul3A_1404 = arith.constant 128 : i32
          %mul3A_1405 = arith.muli %squeeze3A_1337, %mul3A_1404 : i32
          %add3A_1406 = arith.constant 96 : i32
          %add3A_1407 = arith.addi %mul3A_1405, %add3A_1406 : i32
          %add3A_1408 = vector.broadcast %add3A_1407 : i32 to vector<16xi32>
          %add3A_1409 = arith.addi %add3A_1408, %iota3A : vector<16xi32>
          %add3A_1410 = arith.constant 96 : i32
          %add3A_1411 = arith.addi %mul3A_1343, %add3A_1410 : i32
          %get3A_1412 = arith.index_cast %add3A_1411 : i32 to index
          %get3A_1413 = tpu.vector_load %arg6[%get3A_1412] {strides = array<i32>} : memref<51200xf32, #tpu.memory_space<vmem>>, vector<16xf32>,
          tpu.vector_store_idx %arg8[%add3A_1409], %get3A_1413 {add = true} : memref<4096xf32, #tpu.memory_space<vmem>>[vector<16xi32>], vector<16xf32>,
          %mul3A_1414 = arith.constant 128 : i32
          %mul3A_1415 = arith.muli %squeeze3A_1337, %mul3A_1414 : i32
          %add3A_1416 = arith.constant 112 : i32
          %add3A_1417 = arith.addi %mul3A_1415, %add3A_1416 : i32
          %add3A_1418 = vector.broadcast %add3A_1417 : i32 to vector<16xi32>
          %add3A_1419 = arith.addi %add3A_1418, %iota3A : vector<16xi32>
          %add3A_1420 = arith.constant 112 : i32
          %add3A_1421 = arith.addi %mul3A_1343, %add3A_1420 : i32
          %get3A_1422 = arith.index_cast %add3A_1421 : i32 to index
          %get3A_1423 = tpu.vector_load %arg6[%get3A_1422] {strides = array<i32>} : memref<51200xf32, #tpu.memory_space<vmem>>, vector<16xf32>,
          tpu.vector_store_idx %arg8[%add3A_1419], %get3A_1423 {add = true} : memref<4096xf32, #tpu.memory_space<vmem>>[vector<16xi32>], vector<16xf32>,
          %broadcast_in_dim3A_1424 = arith.constant 0 : i32
          %broadcast_in_dim3A_1425 = vector.broadcast %broadcast_in_dim3A_1424 : i32 to vector<16xi32>
          %add3A_1426 = vector.broadcast %squeeze3A_1337 : i32 to vector<16xi32>
          %add3A_1427 = arith.addi %broadcast_in_dim3A_1425, %add3A_1426 : vector<16xi32>
          %add3A_1428 = arith.constant 1.000000e+00 : f32
          %add3A_1429 = vector.broadcast %add3A_1428 : f32 to vector<16xf32>
          %add3A_1430 = arith.addf %broadcast_in_dim3A_3, %add3A_1429 : vector<16xf32>
          tpu.vector_store_idx %arg9[%add3A_1427], %add3A_1430 masked %eq3A_5 {add = true} : memref<32xf32, #tpu.memory_space<vmem>>[vector<16xi32>], vector<16xf32>, vector<16xi1>
          %slice3A_1431 = vector.extract_strided_slice %get3A_195 {offsets = [13], sizes = [1], strides = [1]} : vector<16xi32> to vector<1xi32>
          %squeeze3A_1432 = vector.extract %slice3A_1431[0] : i32 from vector<1xi32>
          %mul3A_1433 = arith.constant 16 : i32
          %mul3A_1434 = arith.muli %scan3A_187, %mul3A_1433 : i32
          %add3A_1435 = arith.constant 13 : i32
          %add3A_1436 = arith.addi %mul3A_1434, %add3A_1435 : i32
          %mul3A_1437 = arith.constant 128 : i32
          %mul3A_1438 = arith.muli %add3A_1436, %mul3A_1437 : i32
          %mul3A_1439 = arith.constant 128 : i32
          %mul3A_1440 = arith.muli %squeeze3A_1432, %mul3A_1439 : i32
          %add3A_1441 = arith.constant 0 : i32
          %add3A_1442 = arith.addi %mul3A_1440, %add3A_1441 : i32
          %add3A_1443 = vector.broadcast %add3A_1442 : i32 to vector<16xi32>
          %add3A_1444 = arith.addi %add3A_1443, %iota3A : vector<16xi32>
          %add3A_1445 = arith.constant 0 : i32
          %add3A_1446 = arith.addi %mul3A_1438, %add3A_1445 : i32
          %get3A_1447 = arith.index_cast %add3A_1446 : i32 to index
          %get3A_1448 = tpu.vector_load %arg6[%get3A_1447] {strides = array<i32>} : memref<51200xf32, #tpu.memory_space<vmem>>, vector<16xf32>,
          tpu.vector_store_idx %arg8[%add3A_1444], %get3A_1448 {add = true} : memref<4096xf32, #tpu.memory_space<vmem>>[vector<16xi32>], vector<16xf32>,
          %mul3A_1449 = arith.constant 128 : i32
          %mul3A_1450 = arith.muli %squeeze3A_1432, %mul3A_1449 : i32
          %add3A_1451 = arith.constant 16 : i32
          %add3A_1452 = arith.addi %mul3A_1450, %add3A_1451 : i32
          %add3A_1453 = vector.broadcast %add3A_1452 : i32 to vector<16xi32>
          %add3A_1454 = arith.addi %add3A_1453, %iota3A : vector<16xi32>
          %add3A_1455 = arith.constant 16 : i32
          %add3A_1456 = arith.addi %mul3A_1438, %add3A_1455 : i32
          %get3A_1457 = arith.index_cast %add3A_1456 : i32 to index
          %get3A_1458 = tpu.vector_load %arg6[%get3A_1457] {strides = array<i32>} : memref<51200xf32, #tpu.memory_space<vmem>>, vector<16xf32>,
          tpu.vector_store_idx %arg8[%add3A_1454], %get3A_1458 {add = true} : memref<4096xf32, #tpu.memory_space<vmem>>[vector<16xi32>], vector<16xf32>,
          %mul3A_1459 = arith.constant 128 : i32
          %mul3A_1460 = arith.muli %squeeze3A_1432, %mul3A_1459 : i32
          %add3A_1461 = arith.constant 32 : i32
          %add3A_1462 = arith.addi %mul3A_1460, %add3A_1461 : i32
          %add3A_1463 = vector.broadcast %add3A_1462 : i32 to vector<16xi32>
          %add3A_1464 = arith.addi %add3A_1463, %iota3A : vector<16xi32>
          %add3A_1465 = arith.constant 32 : i32
          %add3A_1466 = arith.addi %mul3A_1438, %add3A_1465 : i32
          %get3A_1467 = arith.index_cast %add3A_1466 : i32 to index
          %get3A_1468 = tpu.vector_load %arg6[%get3A_1467] {strides = array<i32>} : memref<51200xf32, #tpu.memory_space<vmem>>, vector<16xf32>,
          tpu.vector_store_idx %arg8[%add3A_1464], %get3A_1468 {add = true} : memref<4096xf32, #tpu.memory_space<vmem>>[vector<16xi32>], vector<16xf32>,
          %mul3A_1469 = arith.constant 128 : i32
          %mul3A_1470 = arith.muli %squeeze3A_1432, %mul3A_1469 : i32
          %add3A_1471 = arith.constant 48 : i32
          %add3A_1472 = arith.addi %mul3A_1470, %add3A_1471 : i32
          %add3A_1473 = vector.broadcast %add3A_1472 : i32 to vector<16xi32>
          %add3A_1474 = arith.addi %add3A_1473, %iota3A : vector<16xi32>
          %add3A_1475 = arith.constant 48 : i32
          %add3A_1476 = arith.addi %mul3A_1438, %add3A_1475 : i32
          %get3A_1477 = arith.index_cast %add3A_1476 : i32 to index
          %get3A_1478 = tpu.vector_load %arg6[%get3A_1477] {strides = array<i32>} : memref<51200xf32, #tpu.memory_space<vmem>>, vector<16xf32>,
          tpu.vector_store_idx %arg8[%add3A_1474], %get3A_1478 {add = true} : memref<4096xf32, #tpu.memory_space<vmem>>[vector<16xi32>], vector<16xf32>,
          %mul3A_1479 = arith.constant 128 : i32
          %mul3A_1480 = arith.muli %squeeze3A_1432, %mul3A_1479 : i32
          %add3A_1481 = arith.constant 64 : i32
          %add3A_1482 = arith.addi %mul3A_1480, %add3A_1481 : i32
          %add3A_1483 = vector.broadcast %add3A_1482 : i32 to vector<16xi32>
          %add3A_1484 = arith.addi %add3A_1483, %iota3A : vector<16xi32>
          %add3A_1485 = arith.constant 64 : i32
          %add3A_1486 = arith.addi %mul3A_1438, %add3A_1485 : i32
          %get3A_1487 = arith.index_cast %add3A_1486 : i32 to index
          %get3A_1488 = tpu.vector_load %arg6[%get3A_1487] {strides = array<i32>} : memref<51200xf32, #tpu.memory_space<vmem>>, vector<16xf32>,
          tpu.vector_store_idx %arg8[%add3A_1484], %get3A_1488 {add = true} : memref<4096xf32, #tpu.memory_space<vmem>>[vector<16xi32>], vector<16xf32>,
          %mul3A_1489 = arith.constant 128 : i32
          %mul3A_1490 = arith.muli %squeeze3A_1432, %mul3A_1489 : i32
          %add3A_1491 = arith.constant 80 : i32
          %add3A_1492 = arith.addi %mul3A_1490, %add3A_1491 : i32
          %add3A_1493 = vector.broadcast %add3A_1492 : i32 to vector<16xi32>
          %add3A_1494 = arith.addi %add3A_1493, %iota3A : vector<16xi32>
          %add3A_1495 = arith.constant 80 : i32
          %add3A_1496 = arith.addi %mul3A_1438, %add3A_1495 : i32
          %get3A_1497 = arith.index_cast %add3A_1496 : i32 to index
          %get3A_1498 = tpu.vector_load %arg6[%get3A_1497] {strides = array<i32>} : memref<51200xf32, #tpu.memory_space<vmem>>, vector<16xf32>,
          tpu.vector_store_idx %arg8[%add3A_1494], %get3A_1498 {add = true} : memref<4096xf32, #tpu.memory_space<vmem>>[vector<16xi32>], vector<16xf32>,
          %mul3A_1499 = arith.constant 128 : i32
          %mul3A_1500 = arith.muli %squeeze3A_1432, %mul3A_1499 : i32
          %add3A_1501 = arith.constant 96 : i32
          %add3A_1502 = arith.addi %mul3A_1500, %add3A_1501 : i32
          %add3A_1503 = vector.broadcast %add3A_1502 : i32 to vector<16xi32>
          %add3A_1504 = arith.addi %add3A_1503, %iota3A : vector<16xi32>
          %add3A_1505 = arith.constant 96 : i32
          %add3A_1506 = arith.addi %mul3A_1438, %add3A_1505 : i32
          %get3A_1507 = arith.index_cast %add3A_1506 : i32 to index
          %get3A_1508 = tpu.vector_load %arg6[%get3A_1507] {strides = array<i32>} : memref<51200xf32, #tpu.memory_space<vmem>>, vector<16xf32>,
          tpu.vector_store_idx %arg8[%add3A_1504], %get3A_1508 {add = true} : memref<4096xf32, #tpu.memory_space<vmem>>[vector<16xi32>], vector<16xf32>,
          %mul3A_1509 = arith.constant 128 : i32
          %mul3A_1510 = arith.muli %squeeze3A_1432, %mul3A_1509 : i32
          %add3A_1511 = arith.constant 112 : i32
          %add3A_1512 = arith.addi %mul3A_1510, %add3A_1511 : i32
          %add3A_1513 = vector.broadcast %add3A_1512 : i32 to vector<16xi32>
          %add3A_1514 = arith.addi %add3A_1513, %iota3A : vector<16xi32>
          %add3A_1515 = arith.constant 112 : i32
          %add3A_1516 = arith.addi %mul3A_1438, %add3A_1515 : i32
          %get3A_1517 = arith.index_cast %add3A_1516 : i32 to index
          %get3A_1518 = tpu.vector_load %arg6[%get3A_1517] {strides = array<i32>} : memref<51200xf32, #tpu.memory_space<vmem>>, vector<16xf32>,
          tpu.vector_store_idx %arg8[%add3A_1514], %get3A_1518 {add = true} : memref<4096xf32, #tpu.memory_space<vmem>>[vector<16xi32>], vector<16xf32>,
          %broadcast_in_dim3A_1519 = arith.constant 0 : i32
          %broadcast_in_dim3A_1520 = vector.broadcast %broadcast_in_dim3A_1519 : i32 to vector<16xi32>
          %add3A_1521 = vector.broadcast %squeeze3A_1432 : i32 to vector<16xi32>
          %add3A_1522 = arith.addi %broadcast_in_dim3A_1520, %add3A_1521 : vector<16xi32>
          %add3A_1523 = arith.constant 1.000000e+00 : f32
          %add3A_1524 = vector.broadcast %add3A_1523 : f32 to vector<16xf32>
          %add3A_1525 = arith.addf %broadcast_in_dim3A_3, %add3A_1524 : vector<16xf32>
          tpu.vector_store_idx %arg9[%add3A_1522], %add3A_1525 masked %eq3A_5 {add = true} : memref<32xf32, #tpu.memory_space<vmem>>[vector<16xi32>], vector<16xf32>, vector<16xi1>
          %slice3A_1526 = vector.extract_strided_slice %get3A_195 {offsets = [14], sizes = [1], strides = [1]} : vector<16xi32> to vector<1xi32>
          %squeeze3A_1527 = vector.extract %slice3A_1526[0] : i32 from vector<1xi32>
          %mul3A_1528 = arith.constant 16 : i32
          %mul3A_1529 = arith.muli %scan3A_187, %mul3A_1528 : i32
          %add3A_1530 = arith.constant 14 : i32
          %add3A_1531 = arith.addi %mul3A_1529, %add3A_1530 : i32
          %mul3A_1532 = arith.constant 128 : i32
          %mul3A_1533 = arith.muli %add3A_1531, %mul3A_1532 : i32
          %mul3A_1534 = arith.constant 128 : i32
          %mul3A_1535 = arith.muli %squeeze3A_1527, %mul3A_1534 : i32
          %add3A_1536 = arith.constant 0 : i32
          %add3A_1537 = arith.addi %mul3A_1535, %add3A_1536 : i32
          %add3A_1538 = vector.broadcast %add3A_1537 : i32 to vector<16xi32>
          %add3A_1539 = arith.addi %add3A_1538, %iota3A : vector<16xi32>
          %add3A_1540 = arith.constant 0 : i32
          %add3A_1541 = arith.addi %mul3A_1533, %add3A_1540 : i32
          %get3A_1542 = arith.index_cast %add3A_1541 : i32 to index
          %get3A_1543 = tpu.vector_load %arg6[%get3A_1542] {strides = array<i32>} : memref<51200xf32, #tpu.memory_space<vmem>>, vector<16xf32>,
          tpu.vector_store_idx %arg8[%add3A_1539], %get3A_1543 {add = true} : memref<4096xf32, #tpu.memory_space<vmem>>[vector<16xi32>], vector<16xf32>,
          %mul3A_1544 = arith.constant 128 : i32
          %mul3A_1545 = arith.muli %squeeze3A_1527, %mul3A_1544 : i32
          %add3A_1546 = arith.constant 16 : i32
          %add3A_1547 = arith.addi %mul3A_1545, %add3A_1546 : i32
          %add3A_1548 = vector.broadcast %add3A_1547 : i32 to vector<16xi32>
          %add3A_1549 = arith.addi %add3A_1548, %iota3A : vector<16xi32>
          %add3A_1550 = arith.constant 16 : i32
          %add3A_1551 = arith.addi %mul3A_1533, %add3A_1550 : i32
          %get3A_1552 = arith.index_cast %add3A_1551 : i32 to index
          %get3A_1553 = tpu.vector_load %arg6[%get3A_1552] {strides = array<i32>} : memref<51200xf32, #tpu.memory_space<vmem>>, vector<16xf32>,
          tpu.vector_store_idx %arg8[%add3A_1549], %get3A_1553 {add = true} : memref<4096xf32, #tpu.memory_space<vmem>>[vector<16xi32>], vector<16xf32>,
          %mul3A_1554 = arith.constant 128 : i32
          %mul3A_1555 = arith.muli %squeeze3A_1527, %mul3A_1554 : i32
          %add3A_1556 = arith.constant 32 : i32
          %add3A_1557 = arith.addi %mul3A_1555, %add3A_1556 : i32
          %add3A_1558 = vector.broadcast %add3A_1557 : i32 to vector<16xi32>
          %add3A_1559 = arith.addi %add3A_1558, %iota3A : vector<16xi32>
          %add3A_1560 = arith.constant 32 : i32
          %add3A_1561 = arith.addi %mul3A_1533, %add3A_1560 : i32
          %get3A_1562 = arith.index_cast %add3A_1561 : i32 to index
          %get3A_1563 = tpu.vector_load %arg6[%get3A_1562] {strides = array<i32>} : memref<51200xf32, #tpu.memory_space<vmem>>, vector<16xf32>,
          tpu.vector_store_idx %arg8[%add3A_1559], %get3A_1563 {add = true} : memref<4096xf32, #tpu.memory_space<vmem>>[vector<16xi32>], vector<16xf32>,
          %mul3A_1564 = arith.constant 128 : i32
          %mul3A_1565 = arith.muli %squeeze3A_1527, %mul3A_1564 : i32
          %add3A_1566 = arith.constant 48 : i32
          %add3A_1567 = arith.addi %mul3A_1565, %add3A_1566 : i32
          %add3A_1568 = vector.broadcast %add3A_1567 : i32 to vector<16xi32>
          %add3A_1569 = arith.addi %add3A_1568, %iota3A : vector<16xi32>
          %add3A_1570 = arith.constant 48 : i32
          %add3A_1571 = arith.addi %mul3A_1533, %add3A_1570 : i32
          %get3A_1572 = arith.index_cast %add3A_1571 : i32 to index
          %get3A_1573 = tpu.vector_load %arg6[%get3A_1572] {strides = array<i32>} : memref<51200xf32, #tpu.memory_space<vmem>>, vector<16xf32>,
          tpu.vector_store_idx %arg8[%add3A_1569], %get3A_1573 {add = true} : memref<4096xf32, #tpu.memory_space<vmem>>[vector<16xi32>], vector<16xf32>,
          %mul3A_1574 = arith.constant 128 : i32
          %mul3A_1575 = arith.muli %squeeze3A_1527, %mul3A_1574 : i32
          %add3A_1576 = arith.constant 64 : i32
          %add3A_1577 = arith.addi %mul3A_1575, %add3A_1576 : i32
          %add3A_1578 = vector.broadcast %add3A_1577 : i32 to vector<16xi32>
          %add3A_1579 = arith.addi %add3A_1578, %iota3A : vector<16xi32>
          %add3A_1580 = arith.constant 64 : i32
          %add3A_1581 = arith.addi %mul3A_1533, %add3A_1580 : i32
          %get3A_1582 = arith.index_cast %add3A_1581 : i32 to index
          %get3A_1583 = tpu.vector_load %arg6[%get3A_1582] {strides = array<i32>} : memref<51200xf32, #tpu.memory_space<vmem>>, vector<16xf32>,
          tpu.vector_store_idx %arg8[%add3A_1579], %get3A_1583 {add = true} : memref<4096xf32, #tpu.memory_space<vmem>>[vector<16xi32>], vector<16xf32>,
          %mul3A_1584 = arith.constant 128 : i32
          %mul3A_1585 = arith.muli %squeeze3A_1527, %mul3A_1584 : i32
          %add3A_1586 = arith.constant 80 : i32
          %add3A_1587 = arith.addi %mul3A_1585, %add3A_1586 : i32
          %add3A_1588 = vector.broadcast %add3A_1587 : i32 to vector<16xi32>
          %add3A_1589 = arith.addi %add3A_1588, %iota3A : vector<16xi32>
          %add3A_1590 = arith.constant 80 : i32
          %add3A_1591 = arith.addi %mul3A_1533, %add3A_1590 : i32
          %get3A_1592 = arith.index_cast %add3A_1591 : i32 to index
          %get3A_1593 = tpu.vector_load %arg6[%get3A_1592] {strides = array<i32>} : memref<51200xf32, #tpu.memory_space<vmem>>, vector<16xf32>,
          tpu.vector_store_idx %arg8[%add3A_1589], %get3A_1593 {add = true} : memref<4096xf32, #tpu.memory_space<vmem>>[vector<16xi32>], vector<16xf32>,
          %mul3A_1594 = arith.constant 128 : i32
          %mul3A_1595 = arith.muli %squeeze3A_1527, %mul3A_1594 : i32
          %add3A_1596 = arith.constant 96 : i32
          %add3A_1597 = arith.addi %mul3A_1595, %add3A_1596 : i32
          %add3A_1598 = vector.broadcast %add3A_1597 : i32 to vector<16xi32>
          %add3A_1599 = arith.addi %add3A_1598, %iota3A : vector<16xi32>
          %add3A_1600 = arith.constant 96 : i32
          %add3A_1601 = arith.addi %mul3A_1533, %add3A_1600 : i32
          %get3A_1602 = arith.index_cast %add3A_1601 : i32 to index
          %get3A_1603 = tpu.vector_load %arg6[%get3A_1602] {strides = array<i32>} : memref<51200xf32, #tpu.memory_space<vmem>>, vector<16xf32>,
          tpu.vector_store_idx %arg8[%add3A_1599], %get3A_1603 {add = true} : memref<4096xf32, #tpu.memory_space<vmem>>[vector<16xi32>], vector<16xf32>,
          %mul3A_1604 = arith.constant 128 : i32
          %mul3A_1605 = arith.muli %squeeze3A_1527, %mul3A_1604 : i32
          %add3A_1606 = arith.constant 112 : i32
          %add3A_1607 = arith.addi %mul3A_1605, %add3A_1606 : i32
          %add3A_1608 = vector.broadcast %add3A_1607 : i32 to vector<16xi32>
          %add3A_1609 = arith.addi %add3A_1608, %iota3A : vector<16xi32>
          %add3A_1610 = arith.constant 112 : i32
          %add3A_1611 = arith.addi %mul3A_1533, %add3A_1610 : i32
          %get3A_1612 = arith.index_cast %add3A_1611 : i32 to index
          %get3A_1613 = tpu.vector_load %arg6[%get3A_1612] {strides = array<i32>} : memref<51200xf32, #tpu.memory_space<vmem>>, vector<16xf32>,
          tpu.vector_store_idx %arg8[%add3A_1609], %get3A_1613 {add = true} : memref<4096xf32, #tpu.memory_space<vmem>>[vector<16xi32>], vector<16xf32>,
          %broadcast_in_dim3A_1614 = arith.constant 0 : i32
          %broadcast_in_dim3A_1615 = vector.broadcast %broadcast_in_dim3A_1614 : i32 to vector<16xi32>
          %add3A_1616 = vector.broadcast %squeeze3A_1527 : i32 to vector<16xi32>
          %add3A_1617 = arith.addi %broadcast_in_dim3A_1615, %add3A_1616 : vector<16xi32>
          %add3A_1618 = arith.constant 1.000000e+00 : f32
          %add3A_1619 = vector.broadcast %add3A_1618 : f32 to vector<16xf32>
          %add3A_1620 = arith.addf %broadcast_in_dim3A_3, %add3A_1619 : vector<16xf32>
          tpu.vector_store_idx %arg9[%add3A_1617], %add3A_1620 masked %eq3A_5 {add = true} : memref<32xf32, #tpu.memory_space<vmem>>[vector<16xi32>], vector<16xf32>, vector<16xi1>
          %slice3A_1621 = vector.extract_strided_slice %get3A_195 {offsets = [15], sizes = [1], strides = [1]} : vector<16xi32> to vector<1xi32>
          %squeeze3A_1622 = vector.extract %slice3A_1621[0] : i32 from vector<1xi32>
          %mul3A_1623 = arith.constant 16 : i32
          %mul3A_1624 = arith.muli %scan3A_187, %mul3A_1623 : i32
          %add3A_1625 = arith.constant 15 : i32
          %add3A_1626 = arith.addi %mul3A_1624, %add3A_1625 : i32
          %mul3A_1627 = arith.constant 128 : i32
          %mul3A_1628 = arith.muli %add3A_1626, %mul3A_1627 : i32
          %mul3A_1629 = arith.constant 128 : i32
          %mul3A_1630 = arith.muli %squeeze3A_1622, %mul3A_1629 : i32
          %add3A_1631 = arith.constant 0 : i32
          %add3A_1632 = arith.addi %mul3A_1630, %add3A_1631 : i32
          %add3A_1633 = vector.broadcast %add3A_1632 : i32 to vector<16xi32>
          %add3A_1634 = arith.addi %add3A_1633, %iota3A : vector<16xi32>
          %add3A_1635 = arith.constant 0 : i32
          %add3A_1636 = arith.addi %mul3A_1628, %add3A_1635 : i32
          %get3A_1637 = arith.index_cast %add3A_1636 : i32 to index
          %get3A_1638 = tpu.vector_load %arg6[%get3A_1637] {strides = array<i32>} : memref<51200xf32, #tpu.memory_space<vmem>>, vector<16xf32>,
          tpu.vector_store_idx %arg8[%add3A_1634], %get3A_1638 {add = true} : memref<4096xf32, #tpu.memory_space<vmem>>[vector<16xi32>], vector<16xf32>,
          %mul3A_1639 = arith.constant 128 : i32
          %mul3A_1640 = arith.muli %squeeze3A_1622, %mul3A_1639 : i32
          %add3A_1641 = arith.constant 16 : i32
          %add3A_1642 = arith.addi %mul3A_1640, %add3A_1641 : i32
          %add3A_1643 = vector.broadcast %add3A_1642 : i32 to vector<16xi32>
          %add3A_1644 = arith.addi %add3A_1643, %iota3A : vector<16xi32>
          %add3A_1645 = arith.constant 16 : i32
          %add3A_1646 = arith.addi %mul3A_1628, %add3A_1645 : i32
          %get3A_1647 = arith.index_cast %add3A_1646 : i32 to index
          %get3A_1648 = tpu.vector_load %arg6[%get3A_1647] {strides = array<i32>} : memref<51200xf32, #tpu.memory_space<vmem>>, vector<16xf32>,
          tpu.vector_store_idx %arg8[%add3A_1644], %get3A_1648 {add = true} : memref<4096xf32, #tpu.memory_space<vmem>>[vector<16xi32>], vector<16xf32>,
          %mul3A_1649 = arith.constant 128 : i32
          %mul3A_1650 = arith.muli %squeeze3A_1622, %mul3A_1649 : i32
          %add3A_1651 = arith.constant 32 : i32
          %add3A_1652 = arith.addi %mul3A_1650, %add3A_1651 : i32
          %add3A_1653 = vector.broadcast %add3A_1652 : i32 to vector<16xi32>
          %add3A_1654 = arith.addi %add3A_1653, %iota3A : vector<16xi32>
          %add3A_1655 = arith.constant 32 : i32
          %add3A_1656 = arith.addi %mul3A_1628, %add3A_1655 : i32
          %get3A_1657 = arith.index_cast %add3A_1656 : i32 to index
          %get3A_1658 = tpu.vector_load %arg6[%get3A_1657] {strides = array<i32>} : memref<51200xf32, #tpu.memory_space<vmem>>, vector<16xf32>,
          tpu.vector_store_idx %arg8[%add3A_1654], %get3A_1658 {add = true} : memref<4096xf32, #tpu.memory_space<vmem>>[vector<16xi32>], vector<16xf32>,
          %mul3A_1659 = arith.constant 128 : i32
          %mul3A_1660 = arith.muli %squeeze3A_1622, %mul3A_1659 : i32
          %add3A_1661 = arith.constant 48 : i32
          %add3A_1662 = arith.addi %mul3A_1660, %add3A_1661 : i32
          %add3A_1663 = vector.broadcast %add3A_1662 : i32 to vector<16xi32>
          %add3A_1664 = arith.addi %add3A_1663, %iota3A : vector<16xi32>
          %add3A_1665 = arith.constant 48 : i32
          %add3A_1666 = arith.addi %mul3A_1628, %add3A_1665 : i32
          %get3A_1667 = arith.index_cast %add3A_1666 : i32 to index
          %get3A_1668 = tpu.vector_load %arg6[%get3A_1667] {strides = array<i32>} : memref<51200xf32, #tpu.memory_space<vmem>>, vector<16xf32>,
          tpu.vector_store_idx %arg8[%add3A_1664], %get3A_1668 {add = true} : memref<4096xf32, #tpu.memory_space<vmem>>[vector<16xi32>], vector<16xf32>,
          %mul3A_1669 = arith.constant 128 : i32
          %mul3A_1670 = arith.muli %squeeze3A_1622, %mul3A_1669 : i32
          %add3A_1671 = arith.constant 64 : i32
          %add3A_1672 = arith.addi %mul3A_1670, %add3A_1671 : i32
          %add3A_1673 = vector.broadcast %add3A_1672 : i32 to vector<16xi32>
          %add3A_1674 = arith.addi %add3A_1673, %iota3A : vector<16xi32>
          %add3A_1675 = arith.constant 64 : i32
          %add3A_1676 = arith.addi %mul3A_1628, %add3A_1675 : i32
          %get3A_1677 = arith.index_cast %add3A_1676 : i32 to index
          %get3A_1678 = tpu.vector_load %arg6[%get3A_1677] {strides = array<i32>} : memref<51200xf32, #tpu.memory_space<vmem>>, vector<16xf32>,
          tpu.vector_store_idx %arg8[%add3A_1674], %get3A_1678 {add = true} : memref<4096xf32, #tpu.memory_space<vmem>>[vector<16xi32>], vector<16xf32>,
          %mul3A_1679 = arith.constant 128 : i32
          %mul3A_1680 = arith.muli %squeeze3A_1622, %mul3A_1679 : i32
          %add3A_1681 = arith.constant 80 : i32
          %add3A_1682 = arith.addi %mul3A_1680, %add3A_1681 : i32
          %add3A_1683 = vector.broadcast %add3A_1682 : i32 to vector<16xi32>
          %add3A_1684 = arith.addi %add3A_1683, %iota3A : vector<16xi32>
          %add3A_1685 = arith.constant 80 : i32
          %add3A_1686 = arith.addi %mul3A_1628, %add3A_1685 : i32
          %get3A_1687 = arith.index_cast %add3A_1686 : i32 to index
          %get3A_1688 = tpu.vector_load %arg6[%get3A_1687] {strides = array<i32>} : memref<51200xf32, #tpu.memory_space<vmem>>, vector<16xf32>,
          tpu.vector_store_idx %arg8[%add3A_1684], %get3A_1688 {add = true} : memref<4096xf32, #tpu.memory_space<vmem>>[vector<16xi32>], vector<16xf32>,
          %mul3A_1689 = arith.constant 128 : i32
          %mul3A_1690 = arith.muli %squeeze3A_1622, %mul3A_1689 : i32
          %add3A_1691 = arith.constant 96 : i32
          %add3A_1692 = arith.addi %mul3A_1690, %add3A_1691 : i32
          %add3A_1693 = vector.broadcast %add3A_1692 : i32 to vector<16xi32>
          %add3A_1694 = arith.addi %add3A_1693, %iota3A : vector<16xi32>
          %add3A_1695 = arith.constant 96 : i32
          %add3A_1696 = arith.addi %mul3A_1628, %add3A_1695 : i32
          %get3A_1697 = arith.index_cast %add3A_1696 : i32 to index
          %get3A_1698 = tpu.vector_load %arg6[%get3A_1697] {strides = array<i32>} : memref<51200xf32, #tpu.memory_space<vmem>>, vector<16xf32>,
          tpu.vector_store_idx %arg8[%add3A_1694], %get3A_1698 {add = true} : memref<4096xf32, #tpu.memory_space<vmem>>[vector<16xi32>], vector<16xf32>,
          %mul3A_1699 = arith.constant 128 : i32
          %mul3A_1700 = arith.muli %squeeze3A_1622, %mul3A_1699 : i32
          %add3A_1701 = arith.constant 112 : i32
          %add3A_1702 = arith.addi %mul3A_1700, %add3A_1701 : i32
          %add3A_1703 = vector.broadcast %add3A_1702 : i32 to vector<16xi32>
          %add3A_1704 = arith.addi %add3A_1703, %iota3A : vector<16xi32>
          %add3A_1705 = arith.constant 112 : i32
          %add3A_1706 = arith.addi %mul3A_1628, %add3A_1705 : i32
          %get3A_1707 = arith.index_cast %add3A_1706 : i32 to index
          %get3A_1708 = tpu.vector_load %arg6[%get3A_1707] {strides = array<i32>} : memref<51200xf32, #tpu.memory_space<vmem>>, vector<16xf32>,
          tpu.vector_store_idx %arg8[%add3A_1704], %get3A_1708 {add = true} : memref<4096xf32, #tpu.memory_space<vmem>>[vector<16xi32>], vector<16xf32>,
          %broadcast_in_dim3A_1709 = arith.constant 0 : i32
          %broadcast_in_dim3A_1710 = vector.broadcast %broadcast_in_dim3A_1709 : i32 to vector<16xi32>
          %add3A_1711 = vector.broadcast %squeeze3A_1622 : i32 to vector<16xi32>
          %add3A_1712 = arith.addi %broadcast_in_dim3A_1710, %add3A_1711 : vector<16xi32>
          %add3A_1713 = arith.constant 1.000000e+00 : f32
          %add3A_1714 = vector.broadcast %add3A_1713 : f32 to vector<16xf32>
          %add3A_1715 = arith.addf %broadcast_in_dim3A_3, %add3A_1714 : vector<16xf32>
          tpu.vector_store_idx %arg9[%add3A_1712], %add3A_1715 masked %eq3A_5 {add = true} : memref<32xf32, #tpu.memory_space<vmem>>[vector<16xi32>], vector<16xf32>, vector<16xi1>
          %scan3A_1716 = arith.constant 0 : i32
          scf.yield %scan3A_1716 : i32
        }
        %scan3A_186 = arith.constant 25 : i32
      } else {
      }
      %jit3A_159 = arith.constant 1.000000e+00 : f32
      %jit3A_160 = arith.constant 0.000000e+00 : f32
      %select_n3A_161 = arith.select %eq3A_124, %jit3A_159, %jit3A_160 : f32
      %mul3A_162 = vector.broadcast %select_n3A_161 : f32 to vector<16xf32>
      %mul3A_163 = arith.mulf %scan3A_150#0, %mul3A_162 : vector<16xf32>
      %mul3A_164 = vector.broadcast %select_n3A_161 : f32 to vector<16xf32>
      %mul3A_165 = arith.mulf %scan3A_150#1, %mul3A_164 : vector<16xf32>
      %mul3A_166 = vector.broadcast %select_n3A_161 : f32 to vector<16xf32>
      %mul3A_167 = arith.mulf %scan3A_150#2, %mul3A_166 : vector<16xf32>
      %mul3A_168 = vector.broadcast %select_n3A_161 : f32 to vector<16xf32>
      %mul3A_169 = arith.mulf %scan3A_150#3, %mul3A_168 : vector<16xf32>
      %mul3A_170 = vector.broadcast %select_n3A_161 : f32 to vector<16xf32>
      %mul3A_171 = arith.mulf %scan3A_150#4, %mul3A_170 : vector<16xf32>
      %mul3A_172 = vector.broadcast %select_n3A_161 : f32 to vector<16xf32>
      %mul3A_173 = arith.mulf %scan3A_150#5, %mul3A_172 : vector<16xf32>
      %mul3A_174 = vector.broadcast %select_n3A_161 : f32 to vector<16xf32>
      %mul3A_175 = arith.mulf %scan3A_150#6, %mul3A_174 : vector<16xf32>
      %mul3A_176 = vector.broadcast %select_n3A_161 : f32 to vector<16xf32>
      %mul3A_177 = arith.mulf %scan3A_150#7, %mul3A_176 : vector<16xf32>
      %mul3A_178 = arith.mulf %add3A_153, %select_n3A_161 : f32
      %select_n3A_179 = arith.select %eq3A_124, %squeeze3A_114, %squeeze3A_123 : i32
      scf.yield %select_n3A_179, %mul3A_178, %mul3A_163, %mul3A_165, %mul3A_167, %mul3A_169, %mul3A_171, %mul3A_173, %mul3A_175, %mul3A_177 : i32, f32, vector<16xf32>, vector<16xf32>, vector<16xf32>, vector<16xf32>, vector<16xf32>, vector<16xf32>, vector<16xf32>, vector<16xf32>
    }
    %scan3A_38 = arith.constant 25 : i32
    %mul3A_39 = arith.constant 128 : i32
    %mul3A_40 = arith.muli %scan3A_37#0, %mul3A_39 : i32
    %add3A_41 = arith.constant 0 : i32
    %add3A_42 = arith.addi %mul3A_40, %add3A_41 : i32
    %add3A_43 = vector.broadcast %add3A_42 : i32 to vector<16xi32>
    %add3A_44 = arith.addi %add3A_43, %iota3A : vector<16xi32>
    tpu.vector_store_idx %arg8[%add3A_44], %scan3A_37#2 {add = true} : memref<4096xf32, #tpu.memory_space<vmem>>[vector<16xi32>], vector<16xf32>,
    %mul3A_45 = arith.constant 128 : i32
    %mul3A_46 = arith.muli %scan3A_37#0, %mul3A_45 : i32
    %add3A_47 = arith.constant 16 : i32
    %add3A_48 = arith.addi %mul3A_46, %add3A_47 : i32
    %add3A_49 = vector.broadcast %add3A_48 : i32 to vector<16xi32>
    %add3A_50 = arith.addi %add3A_49, %iota3A : vector<16xi32>
    tpu.vector_store_idx %arg8[%add3A_50], %scan3A_37#3 {add = true} : memref<4096xf32, #tpu.memory_space<vmem>>[vector<16xi32>], vector<16xf32>,
    %mul3A_51 = arith.constant 128 : i32
    %mul3A_52 = arith.muli %scan3A_37#0, %mul3A_51 : i32
    %add3A_53 = arith.constant 32 : i32
    %add3A_54 = arith.addi %mul3A_52, %add3A_53 : i32
    %add3A_55 = vector.broadcast %add3A_54 : i32 to vector<16xi32>
    %add3A_56 = arith.addi %add3A_55, %iota3A : vector<16xi32>
    tpu.vector_store_idx %arg8[%add3A_56], %scan3A_37#4 {add = true} : memref<4096xf32, #tpu.memory_space<vmem>>[vector<16xi32>], vector<16xf32>,
    %mul3A_57 = arith.constant 128 : i32
    %mul3A_58 = arith.muli %scan3A_37#0, %mul3A_57 : i32
    %add3A_59 = arith.constant 48 : i32
    %add3A_60 = arith.addi %mul3A_58, %add3A_59 : i32
    %add3A_61 = vector.broadcast %add3A_60 : i32 to vector<16xi32>
    %add3A_62 = arith.addi %add3A_61, %iota3A : vector<16xi32>
    tpu.vector_store_idx %arg8[%add3A_62], %scan3A_37#5 {add = true} : memref<4096xf32, #tpu.memory_space<vmem>>[vector<16xi32>], vector<16xf32>,
    %mul3A_63 = arith.constant 128 : i32
    %mul3A_64 = arith.muli %scan3A_37#0, %mul3A_63 : i32
    %add3A_65 = arith.constant 64 : i32
    %add3A_66 = arith.addi %mul3A_64, %add3A_65 : i32
    %add3A_67 = vector.broadcast %add3A_66 : i32 to vector<16xi32>
    %add3A_68 = arith.addi %add3A_67, %iota3A : vector<16xi32>
    tpu.vector_store_idx %arg8[%add3A_68], %scan3A_37#6 {add = true} : memref<4096xf32, #tpu.memory_space<vmem>>[vector<16xi32>], vector<16xf32>,
    %mul3A_69 = arith.constant 128 : i32
    %mul3A_70 = arith.muli %scan3A_37#0, %mul3A_69 : i32
    %add3A_71 = arith.constant 80 : i32
    %add3A_72 = arith.addi %mul3A_70, %add3A_71 : i32
    %add3A_73 = vector.broadcast %add3A_72 : i32 to vector<16xi32>
    %add3A_74 = arith.addi %add3A_73, %iota3A : vector<16xi32>
    tpu.vector_store_idx %arg8[%add3A_74], %scan3A_37#7 {add = true} : memref<4096xf32, #tpu.memory_space<vmem>>[vector<16xi32>], vector<16xf32>,
    %mul3A_75 = arith.constant 128 : i32
    %mul3A_76 = arith.muli %scan3A_37#0, %mul3A_75 : i32
    %add3A_77 = arith.constant 96 : i32
    %add3A_78 = arith.addi %mul3A_76, %add3A_77 : i32
    %add3A_79 = vector.broadcast %add3A_78 : i32 to vector<16xi32>
    %add3A_80 = arith.addi %add3A_79, %iota3A : vector<16xi32>
    tpu.vector_store_idx %arg8[%add3A_80], %scan3A_37#8 {add = true} : memref<4096xf32, #tpu.memory_space<vmem>>[vector<16xi32>], vector<16xf32>,
    %mul3A_81 = arith.constant 128 : i32
    %mul3A_82 = arith.muli %scan3A_37#0, %mul3A_81 : i32
    %add3A_83 = arith.constant 112 : i32
    %add3A_84 = arith.addi %mul3A_82, %add3A_83 : i32
    %add3A_85 = vector.broadcast %add3A_84 : i32 to vector<16xi32>
    %add3A_86 = arith.addi %add3A_85, %iota3A : vector<16xi32>
    tpu.vector_store_idx %arg8[%add3A_86], %scan3A_37#9 {add = true} : memref<4096xf32, #tpu.memory_space<vmem>>[vector<16xi32>], vector<16xf32>,
    %broadcast_in_dim3A_87 = arith.constant 0 : i32
    %broadcast_in_dim3A_88 = vector.broadcast %broadcast_in_dim3A_87 : i32 to vector<16xi32>
    %add3A_89 = vector.broadcast %scan3A_37#0 : i32 to vector<16xi32>
    %add3A_90 = arith.addi %broadcast_in_dim3A_88, %add3A_89 : vector<16xi32>
    %add3A_91 = vector.broadcast %scan3A_37#1 : f32 to vector<16xf32>
    %add3A_92 = arith.addf %broadcast_in_dim3A_3, %add3A_91 : vector<16xf32>
    tpu.vector_store_idx %arg9[%add3A_90], %add3A_92 masked %eq3A_5 {add = true} : memref<32xf32, #tpu.memory_space<vmem>>[vector<16xi32>], vector<16xf32>, vector<16xi1>
    "tpu.region"() ({
      %run_scoped3A = tpu.sem_alloc : memref<!tpu.dma_semaphore, #tpu.memory_space<semaphore_mem>>
      %dma_start3A = arith.constant 0 : i32
      %dma_start3A_93 = tpu.memref_slice %arg4[%add3A, %dma_start3A] : memref<32x4096xf32, #tpu.memory_space<hbm>> -> memref<1x4096xf32, #tpu.memory_space<hbm>>
      %dma_start3A_94 = tpu.memref_squeeze %dma_start3A_93 : memref<1x4096xf32, #tpu.memory_space<hbm>> -> memref<4096xf32, #tpu.memory_space<hbm>>
      %dma_start3A_95 = arith.constant 0 : i32
      %dma_start3A_96 = tpu.memref_slice %arg4[%add3A, %dma_start3A_95] : memref<32x4096xf32, #tpu.memory_space<hbm>> -> memref<1x4096xf32, #tpu.memory_space<hbm>>
      %dma_start3A_97 = tpu.memref_squeeze %dma_start3A_96 : memref<1x4096xf32, #tpu.memory_space<hbm>> -> memref<4096xf32, #tpu.memory_space<hbm>>
      tpu.enqueue_dma source(%arg8 : memref<4096xf32, #tpu.memory_space<vmem>>) target(%dma_start3A_97 : memref<4096xf32, #tpu.memory_space<hbm>>) target_semaphore(%run_scoped3A : memref<!tpu.dma_semaphore, #tpu.memory_space<semaphore_mem>>)
      %dma_wait3A = arith.constant 0 : i32
      %dma_wait3A_98 = tpu.memref_slice %arg4[%add3A, %dma_wait3A] : memref<32x4096xf32, #tpu.memory_space<hbm>> -> memref<1x4096xf32, #tpu.memory_space<hbm>>
      %dma_wait3A_99 = tpu.memref_squeeze %dma_wait3A_98 : memref<1x4096xf32, #tpu.memory_space<hbm>> -> memref<4096xf32, #tpu.memory_space<hbm>>
      %dma_wait3A_100 = arith.constant 0 : i32
      %dma_wait3A_101 = tpu.memref_slice %arg4[%add3A, %dma_wait3A_100] : memref<32x4096xf32, #tpu.memory_space<hbm>> -> memref<1x4096xf32, #tpu.memory_space<hbm>>
      %dma_wait3A_102 = tpu.memref_squeeze %dma_wait3A_101 : memref<1x4096xf32, #tpu.memory_space<hbm>> -> memref<4096xf32, #tpu.memory_space<hbm>>
      tpu.wait_dma2 semaphore(%run_scoped3A : memref<!tpu.dma_semaphore, #tpu.memory_space<semaphore_mem>>) src(%arg8 : memref<4096xf32, #tpu.memory_space<vmem>>) dst(%dma_wait3A_102 : memref<4096xf32, #tpu.memory_space<hbm>>)
      tpu.yield
    }) : () -> ()
    "tpu.region"() ({
      %run_scoped3A = tpu.sem_alloc : memref<!tpu.dma_semaphore, #tpu.memory_space<semaphore_mem>>
      %dma_start3A = arith.constant 0 : i32
      %dma_start3A_93 = tpu.memref_slice %arg5[%add3A, %dma_start3A] : memref<32x32xf32, #tpu.memory_space<hbm>> -> memref<1x32xf32, #tpu.memory_space<hbm>>
      %dma_start3A_94 = tpu.memref_squeeze %dma_start3A_93 : memref<1x32xf32, #tpu.memory_space<hbm>> -> memref<32xf32, #tpu.memory_space<hbm>>
      %dma_start3A_95 = arith.constant 0 : i32
      %dma_start3A_96 = tpu.memref_slice %arg5[%add3A, %dma_start3A_95] : memref<32x32xf32, #tpu.memory_space<hbm>> -> memref<1x32xf32, #tpu.memory_space<hbm>>
      %dma_start3A_97 = tpu.memref_squeeze %dma_start3A_96 : memref<1x32xf32, #tpu.memory_space<hbm>> -> memref<32xf32, #tpu.memory_space<hbm>>
      tpu.enqueue_dma source(%arg9 : memref<32xf32, #tpu.memory_space<vmem>>) target(%dma_start3A_97 : memref<32xf32, #tpu.memory_space<hbm>>) target_semaphore(%run_scoped3A : memref<!tpu.dma_semaphore, #tpu.memory_space<semaphore_mem>>)
      %dma_wait3A = arith.constant 0 : i32
      %dma_wait3A_98 = tpu.memref_slice %arg5[%add3A, %dma_wait3A] : memref<32x32xf32, #tpu.memory_space<hbm>> -> memref<1x32xf32, #tpu.memory_space<hbm>>
      %dma_wait3A_99 = tpu.memref_squeeze %dma_wait3A_98 : memref<1x32xf32, #tpu.memory_space<hbm>> -> memref<32xf32, #tpu.memory_space<hbm>>
      %dma_wait3A_100 = arith.constant 0 : i32
      %dma_wait3A_101 = tpu.memref_slice %arg5[%add3A, %dma_wait3A_100] : memref<32x32xf32, #tpu.memory_space<hbm>> -> memref<1x32xf32, #tpu.memory_space<hbm>>
      %dma_wait3A_102 = tpu.memref_squeeze %dma_wait3A_101 : memref<1x32xf32, #tpu.memory_space<hbm>> -> memref<32xf32, #tpu.memory_space<hbm>>
      tpu.wait_dma2 semaphore(%run_scoped3A : memref<!tpu.dma_semaphore, #tpu.memory_space<semaphore_mem>>) src(%arg9 : memref<32xf32, #tpu.memory_space<vmem>>) dst(%dma_wait3A_102 : memref<32xf32, #tpu.memory_space<hbm>>)
      tpu.yield
    }) : () -> ()
    return
  }
}

module attributes {stable_mosaic.version = 14 : i64} {
  func.func @_combine_body(%arg0: memref<32x4096xf32, #tpu.memory_space<vmem>>, %arg1: memref<32x32xf32, #tpu.memory_space<vmem>>, %arg2: memref<32x128xf32, #tpu.memory_space<vmem>>) attributes {dimension_semantics = [], scalar_prefetch = 0 : i64, scratch_operands = 0 : i64, tpu.core_type = #tpu.core_type<tc>} {
    %get3A = arith.constant 0 : index
    %get3A_0 = arith.constant 0 : index
    %get3A_1 = vector.load %arg0[%get3A, %get3A_0] : memref<32x4096xf32, #tpu.memory_space<vmem>>, vector<32x4096xf32>
    %reduce_sum3A = arith.constant dense<0.000000e+00> : vector<4096xf32>
    %reduce_sum3A_2 = vector.multi_reduction <add>, %get3A_1, %reduce_sum3A [0] : vector<32x4096xf32> to vector<4096xf32>
    %reshape3A = vector.shape_cast %reduce_sum3A_2 : vector<4096xf32> to vector<32x128xf32>
    %get3A_3 = arith.constant 0 : index
    %get3A_4 = arith.constant 0 : index
    %get3A_5 = vector.load %arg1[%get3A_3, %get3A_4] : memref<32x32xf32, #tpu.memory_space<vmem>>, vector<32x32xf32>
    %reduce_sum3A_6 = arith.constant dense<0.000000e+00> : vector<32xf32>
    %reduce_sum3A_7 = vector.multi_reduction <add>, %get3A_5, %reduce_sum3A_6 [0] : vector<32x32xf32> to vector<32xf32>
    %reshape3A_8 = vector.shape_cast %reduce_sum3A_7 : vector<32xf32> to vector<32x1xf32>
    %max3A = arith.constant 1.000000e+00 : f32
    %max3A_9 = vector.broadcast %max3A : f32 to vector<32x1xf32>
    %max3A_10 = arith.maximumf %reshape3A_8, %max3A_9 : vector<32x1xf32>
    %div3A = vector.broadcast %max3A_10 : vector<32x1xf32> to vector<32x128xf32>
    %div3A_11 = arith.divf %reshape3A, %div3A : vector<32x128xf32>
    %swap3A = arith.constant 0 : index
    %swap3A_12 = arith.constant 0 : index
    %swap3A_13 = vector.load %arg2[%swap3A, %swap3A_12] : memref<32x128xf32, #tpu.memory_space<vmem>>, vector<32x128xf32>
    tpu.vector_store %arg2[%swap3A, %swap3A_12], %div3A_11 {strides = array<i32>} : memref<32x128xf32, #tpu.memory_space<vmem>>, vector<32x128xf32>,
    return
  }
}

</mosaic_0001>

<sc_bundles>
// kernel: kernel.4.cloned.1.call-start
scs
__scs_entry_jumppad:
0x0: {  	(pc) =	sbr.rel $0x88, $3  }
0x1: {  	(tag) =	ssettag $0x0;
	lr =	simm.s32 $0x1  }
0x2: {  	[smem:$0x3F9F] =	sst lr;
	_ =	strace $0xD0000000  }
0x3: {  	_ = 	snop  }
0x4: {  	_ = 	snop  }
0x5: {  	_ = 	snop  }
0x6: {  	_ = 	snop  }
0x7: {  	_ = 	snop  }
__scs_overlays_trampoline_lowered:
0x8: {  	[smem:$0x3FAE] =	sst s0  }
0x9: {  	[smem:$0x3FAF] =	sst s1  }
0xa: {  	[smem:$0x3FB0] =	sst s2  }
0xb: {  	[smem:$0x3FB1] =	sst s3  }
0xc: {  	[smem:$0x3FB2] =	sst s4  }
0xd: {  	[smem:$0x3FB3] =	sst s5  }
0xe: {  	[smem:$0x3FB4] =	sst s6  }
0xf: {  	[smem:$0x3FB5] =	sst s7  }
0x10: {  	[smem:$0x3FB6] =	sst s8  }
0x11: {  	[smem:$0x3FB7] =	sst s9;
	s0 =	simm.s32 @!p0 $0x0  }
0x12: {  	s1 =	sld [smem:$0x3F9D];
	s0 =	simm.s32 @p0 $0x1  }
0x13: {  	[smem:$0x3FB8] =	sst s0;
	s0 =	simm.s32 @!p1 $0x0  }
0x14: {  	s2 =	sld [smem:$0x3F9C];
	s0 =	simm.s32 @p1 $0x1  }
0x15: {  	[smem:$0x3FB9] =	sst s0;
	s0 =	simm.s32 @!p2 $0x0  }
0x16: {  	s3 =	sld [smem:$0x3FDB];
	s0 =	simm.s32 @p2 $0x1  }
0x17: {  	s4 =	simm.s32 $0x1BF5;
	[smem:$0x3FBB] =	sst s0  }
0x18: {  	s0 =	sld [smem:$0x3F9E];
	_ =	swait.ge [sflag:s4], $0x0  }
0x19: {  	s7 =	sld [smem:$0x3F9F]  }
0x1a: {  	s8 =	sadd.s32 $0xFFFFE003, lr  }
0x1b: {  	s9 =	sadd.s32 $0xFFFFFEF7, lr;
	s5 =	simm.s32 $0xFFFFFFFF;
	p2 =	slt.u32 s8, $0xFFFFF086  }
0x1c: {  	p1 =	slt.u32 s9, $0xF7A;
	s5 =	simm.s32 @!p2 $0x0  }
0x1d: {  	s5 =	simm.s32 @p1 $0x1;
	p0 =	seq.s32 s7, s2  }
0x1e: {  	s7 =	smul.u32 @!p0 $0xF7A, s2;
	p2 =	seq.s32 @!p0 s5, $0x0  }
0x1f: {  	s9 =	smul.u32 $0xF7A, s1;
	s8 =	simm.s32 @!p0 $0x1BF5;
	p2 =	por !p2, p0  }
0x20: {  	[sflag:s8] =	ssyncset.s32 @!p0 $0xFFFFF086;
	s6 =	sadd.s32 @!p0 s3, s7;
	s7 =	simm.s32 @!p0 $0x108  }
0x21: {  	s3 =	sadd.s32 s3, s9;
	s6 =	sadd.s32 @!p0 $0x88, s6;
	s7 =	simm.s32 @p2 $0x1082  }
0x22: {  	[simem:s7], [sflag:s8] =	dma.local @!p0 [hbm:s6], $0xF7A  }
0x23: {  	s9 =	sor.u32 $0xD0000000, s2;
	s6 =	simm.s32 $0x108;
	_ =	swait.ge @!p0 [sflag:s8], $0x0  }
0x24: {  	s3 =	sadd.s32 $0x88, s3;
	s6 =	simm.s32 @!p1 $0x1082;
	[sflag:s4] =	ssyncset.s32 $0xFFFFF086  }
0x25: {  	[simem:s6], [sflag:s4] =	dma.local [hbm:s3], $0xF7A  }
0x26: {  	[smem:$0x3F9F] =	sst s1;
	(tag) =	ssettag s2;
	_ =	strace s9  }
0x27: {  	s1 =	sld [smem:$0x3FAF]  }
0x28: {  	s2 =	sld [smem:$0x3FB0]  }
0x29: {  	s4 =	sld [smem:$0x3FB2]  }
0x2a: {  	p0 =	seq.s32 s5, $0x0;
	s5 =	sld [smem:$0x3FB3]  }
0x2b: {  	s6 =	sld [smem:$0x3FB4]  }
0x2c: {  	s7 =	sld [smem:$0x3FB5]  }
0x2d: {  	s3 =	simm.s32 $0x108;
	s8 =	sld [smem:$0x3FB6]  }
0x2e: {  	s3 =	simm.s32 @!p0 $0x1082;
	s9 =	sld [smem:$0x3FB7]  }
0x2f: {  	lr =	sadd.s32 s0, s3;
	s0 =	sld [smem:$0x3FAE]  }
0x30: {  	s3 =	sld [smem:$0x3FB1]  }
0x31: {  	[smem:$0x3FBA] =	sst s10  }
0x32: {  	s10 =	sld [smem:$0x3FB8];
	_ =	sdelay $0x3  }
0x33: {  	p0 =	seq.s32 s10, $0x1;
	s10 =	sld [smem:$0x3FBA];
	_ =	sdelay $0x3  }
0x34: {  	[smem:$0x3FBA] =	sst s10  }
0x35: {  	s10 =	sld [smem:$0x3FB9];
	_ =	sdelay $0x3  }
0x36: {  	p1 =	seq.s32 s10, $0x1;
	s10 =	sld [smem:$0x3FBA];
	_ =	sdelay $0x3  }
0x37: {  	[smem:$0x3FBA] =	sst s10  }
0x38: {  	s10 =	sld [smem:$0x3FBB]  }
0x39: {  	_ = 	snop;
	(pc) =	sbr.ind lr, $3  }
0x3a: {  	_ = 	snop  }
0x3b: {  	_ = 	snop  }
0x3c: {  	p2 =	seq.s32 s10, $0x1;
	s10 =	sld [smem:$0x3FBA]  }
0x3d: {  	_ =	shalt  }
0x3e: {  	_ =	shalt  }
0x3f: {  	_ =	shalt  }
0x40: {  	_ =	shalt  }
0x41: {  	_ =	shalt  }
0x42: {  	_ =	shalt  }
0x43: {  	_ =	shalt  }
0x44: {  	_ =	shalt  }
0x45: {  	_ =	shalt  }
0x46: {  	_ =	shalt  }
0x47: {  	_ =	shalt  }
0x48: {  	_ =	shalt  }
0x49: {  	_ =	shalt  }
0x4a: {  	_ =	shalt  }
0x4b: {  	_ =	shalt  }
0x4c: {  	_ =	shalt  }
0x4d: {  	_ =	shalt  }
0x4e: {  	_ =	shalt  }
0x4f: {  	_ =	shalt  }
0x50: {  	_ =	shalt  }
0x51: {  	_ =	shalt  }
0x52: {  	_ =	shalt  }
0x53: {  	_ =	shalt  }
0x54: {  	_ =	shalt  }
0x55: {  	_ =	shalt  }
0x56: {  	_ =	shalt  }
0x57: {  	_ =	shalt  }
0x58: {  	_ =	shalt  }
0x59: {  	_ =	shalt  }
0x5a: {  	_ =	shalt  }
0x5b: {  	_ =	shalt  }
0x5c: {  	_ =	shalt  }
0x5d: {  	_ =	shalt  }
0x5e: {  	_ =	shalt  }
0x5f: {  	_ =	shalt  }
0x60: {  	_ =	shalt  }
0x61: {  	_ =	shalt  }
0x62: {  	_ =	shalt  }
0x63: {  	_ =	shalt  }
0x64: {  	_ =	shalt  }
0x65: {  	_ =	shalt  }
0x66: {  	_ =	shalt  }
0x67: {  	_ =	shalt  }
0x68: {  	_ =	shalt  }
0x69: {  	_ =	shalt  }
0x6a: {  	_ =	shalt  }
0x6b: {  	_ =	shalt  }
0x6c: {  	_ =	shalt  }
0x6d: {  	_ =	shalt  }
0x6e: {  	_ =	shalt  }
0x6f: {  	_ =	shalt  }
0x70: {  	_ =	shalt  }
0x71: {  	_ =	shalt  }
0x72: {  	_ =	shalt  }
0x73: {  	_ =	shalt  }
0x74: {  	_ =	shalt  }
0x75: {  	_ =	shalt  }
0x76: {  	_ =	shalt  }
0x77: {  	_ =	shalt  }
0x78: {  	_ =	shalt  }
0x79: {  	_ =	shalt  }
0x7a: {  	_ =	shalt  }
0x7b: {  	_ =	shalt  }
0x7c: {  	_ =	shalt  }
0x7d: {  	_ =	shalt  }
0x7e: {  	_ =	shalt  }
0x7f: {  	_ =	shalt  }
0x80: {  	_ =	shalt  }
0x81: {  	_ =	shalt  }
0x82: {  	_ =	shalt  }
0x83: {  	_ =	shalt  }
0x84: {  	_ =	shalt  }
0x85: {  	_ =	shalt  }
0x86: {  	_ =	shalt  }
0x87: {  	_ =	shalt  }
.Lfunc_end0:
.L_simem_size_0:
called_computation_lowered:
.L_overlay_start_0:
0x88: {  	s2 =	sld [smem:$0x3FD9]  }
0x89: {  	s3 =	sld [smem:$0x3FFE];
	_ =	sdelay $0x1  }
0x8a: {  	s1 =	srdreg.scid  }
0x8b: {  	s0 =	sand.u32 $0x1, s1  }
0x8c: {  	s17 =	sshll.u32 s0, $0xA;
	s2 =	sadd.s32 s3, s2  }
0x8d: {  	s2 =	sadd.s32 s2, s17  }
0x8e: {  	[smem:$0x3FC6] =	sst s2  }
0x8f: {  	_ = 	snop  }
0x90: {  	s2 =	sld [smem:$0x3FC9]  }
0x91: {  	s18 =	sld [smem:$0x3FC8]  }
0x92: {  	s4 =	sld [smem:$0x3FD0];
	(tm) =	ssettm $0x1  }
0x93: {  	s5 =	sld [smem:$0x3FFB];
	_ =	sdelay $0x3  }
0x94: {  	_ =	strace s5  }
0x95: {  	s5 =	sld [smem:$0x3FFC];
	_ =	sdelay $0x3  }
0x96: {  	_ =	strace s5  }
0x97: {  	s5 =	sld [smem:$0x3FFD];
	_ =	sdelay $0x3  }
0x98: {  	_ =	strace s5  }
0x99: {  	_ =	strace $0x8FFFFFFF  }
0x9a: {  	s19 =	sld [smem:$0x3FDB];
	_ =	sdelay $0x1  }
0x9b: {  	s6 =	simm.s32 $_scs_section_size  }
0x9c: {  	s7 =	simm.s32 $_size__tile_overlayer_lowered;
	s8 =	simm.s32 $_tile_overlayer_lowered  }
0x9d: {  	s22 =	simm.s32 $0x1BFF;
	s21 =	sshll.u32 s8, $0x1;
	s5 =	sadd.s32 s6, s19  }
0x9e: {  	s9 =	simm.s32 $0x0;
	s20 =	sshll.u32 s7, $0x1;
	s7 =	sadd.s32 s21, s5  }
0x9f: {  	[timem:s9], [sflag:s22] =	dma.local [hbm:s7], s20  }
0xa0: {  	_ =	swait.ge [sflag:s22], s20  }
0xa1: {  	s6 =	ssub.s32 $0x0, s20;
	[sflag:s22] =	ssyncset.done $0x0  }
0xa2: {  	[sflag:s22] =	ssyncadd.s32 s6;
	_ =	sdelay $0x1  }
0xa3: {  	s23 =	simm.s32 $0x1B8B  }
0xa4: {  	_ =	swait.ge [sflag:s23], $0x1  }
0xa5: {  	[sflag:s23] =	ssyncset.done $0x0  }
0xa6: {  	s25 =	simm.s32 $0x1B8E;
	s24 =	sld [smem:$0x3FFE];
	[sflag:s23] =	ssyncadd.s32 $0xFFFFFFFF  }
0xa7: {  	s26 =	simm.s32 $execute0_lowered;
	[smem:$0x3FD2] =	sst s25  }
0xa8: {  	s7 =	sshll.u32 s26, $0x1;
	_ =	strace $0x80000046;
	[dreg:$0x1] =	wrdreg $0xFFFFFFFF  }
0xa9: {  	s28 =	simm.s32 $_size_execute0_lowered;
	s5 =	sadd.s32 s5, s7;
	[dreg:$0x0] =	wrdreg $0x0  }
0xaa: {  	s7 =	sshll.u32 s28, $0x1;
	[dreg:$0x2] =	wrdreg s5  }
0xab: {  	[dreg:$0x3] =	wrdreg s7  }
0xac: {  	[dreg:$0x4] =	wrdreg $0xC0  }
0xad: {  	_ =	task [dreg:s9], $0x5FFFF  }
0xae: {  	[dreg:$0x1] =	wrdreg $0xFFFFFFFF  }
0xaf: {  	[dreg:$0x0] =	wrdreg $0x60  }
0xb0: {  	[dreg:$0x2] =	wrdreg s2  }
0xb1: {  	[dreg:$0x3] =	wrdreg s18  }
0xb2: {  	[dreg:$0x4] =	wrdreg s24  }
0xb3: {  	[dreg:$0x5] =	wrdreg s4  }
0xb4: {  	[dreg:$0x6] =	wrdreg $0x9  }
0xb5: {  	_ =	task.clear_ibuf [dreg:s9], $0x7FFFF;
	_ =	strace $0x90000046  }
0xb6: {  	s29 =	simm.s32 $0x9;
	_ =	strace $0x80000048  }
0xb7: {  	_ =	swait.ge [sflag:s29], $0x1  }
0xb8: {  	[sflag:s29] =	ssyncadd.s32 $0xFFFFFFFF  }
0xb9: {  	_ =	strace $0x90000048  }
0xba: {  	_ =	sfence  }
0xbb: {  	s30 =	sld [smem:$0x0];
	_ =	sdelay $0x2  }
0xbc: {  	s31 =	sshll.u32 s1, $0xD;
	s1 =	sshrl.u32 s1, $0x2  }
0xbd: {  	s3 =	sand.u32 $0x4000, s31;
	s1 =	sadd.s32 s1, s30  }
0xbe: {  	s0 =	sor.u32 s3, s0;
	s1 =	sshll.u32 s1, $0x11  }
0xbf: {  	s0 =	sor.u32 s1, s0  }
0xc0: {  	s0 =	sadd.s32 $0x8F2B, s0  }
0xc1: {  	[sflag:s0] =	ssyncadd.remote.s32 $0x1  }
0xc2: {  	_ =	sfence.sel $0xFFFF  }
0xc3: {  	[dreg:$0x0] =	wrdreg $0xFFFFFFFF;
	(pc) =	sbr.abs _section_cstart, $3  }
0xc4: {  	[dreg:$0x1] =	wrdreg $0xFFFFFFFF  }
0xc5: {  	_ =	task.clear_ibuf [dreg:s9], $0x2FFFF;
	_ =	strace $0x9FFFFFFF  }
0xc6: {  	(tm) =	ssettm $0x7FFFFFFF  }
0xc7: {  	_ =	shalt  }
tec
execute0_lowered:
.L_overlay_start_1:
0x0: {  	(tag) =	ssettag $0x1  }
0x1: {  	s1 =	rddreg [dreg:$0x0]  }
0x2: {  	s5 =	rddreg [dreg:$0x1]  }
0x3: {  	s2 =	srdreg.scid;
	s6 =	rddreg [dreg:$0x2]  }
0x4: {  	s0 =	stileid.u32;
	s8 =	rddreg [dreg:$0x3]  }
0x5: {  	s3 =	simm.s32 $0x0;
	s13 =	simm.s32 $0x400;
	s14 =	simm.s32 $0x0  }
0x6: {  	s7 =	sand.u32 $0x1, s2;
	s28 =	sshll.u32 s0, $0x1;
	s2 =	rddreg [dreg:$0x4]  }
0x7: {  	s9 =	sshrl.u32 s0, $0x2;
	[smem:$0x7FF] =	sst s3;
	s4 =	sor.u32 s7, s28  }
0x8: {  	s11 =	sshll.u32 s9, $0xF;
	_ =	strace $0x80000047;
	s7 =	ssub.s32 $0x2, s7  }
0x9: {  	s10 =	sshll.u32 s4, $0x7;
	s4 =	smul.u32 $0x2710, s4;
	s29 =	sshrl.u32 s7, $0x1  }
0xa: {  	s9 =	sshll.u32 s9, $0xA;
	s10 =	sand.u32 $0x380, s10;
	s30 =	ssub.s32 s7, s29  }
.Ltmp0:
0xb: {  	v0 =	vlaneseq.u32;
	s11 =	sor.u32 s11, s10;
	s12 =	sshrl.u32 s4, $0x3;
	(pc) =	sbr.rel .LBB2_1-.Ltmp0, $4  }
0xc: {  	v1 =	vimm.f32 $0.0e+00;
	v9 =	vimm.s32 $0x0;
	vm0 =	vcmask $0x300;
	s9 =	sor.u32 s9, s10;
	s10 =	simm.s32 $0xEF80;
	s11 =	sshrl.u32 s11, $0x3  }
0xd: {  	v10 =	vimm.f32 $1.000000000e+00;
	v2 =	vor.u32 $0x10, v0;
	v3 =	vor.u32 $0x20, v0;
	s5 =	sadd.s32 s5, s12;
	s31 =	sshrl.u32 s9, $0x3;
	s9 =	simm.s32 $0x1  }
0xe: {  	v4 =	vor.u32 $0x30, v0;
	v5 =	vor.u32 $0x40, v0;
	v6 =	vor.u32 $0x50, v0;
	s12 =	simm.s32 $0x80;
	s6 =	sadd.s32 s11, s6;
	s7 =	sadd.s32 s8, s31  }
0xf: {  	v7 =	vor.u32 $0x60, v0;
	v8 =	vor.u32 $0x70, v0;
	v9 =	vsel vm0, $0x7, v9;
	s8 =	smax.u32 s30, $0x1;
	s11 =	simm.s32 $0xFF80;
	s6 =	sadd.s32 $0xC00, s6  }
.LBB2_10:
0x10: {  	s15 =	sshll.u32 s18, $0x7  }
0x11: {  	v14 =	vmov s15  }
0x12: {  	v14 =	vshrl.u32 v14, $0x7  }
0x13: {  	v14 =	vshll.u32 v14, $0x7  }
0x14: {  	v14 =	vbroadcast v14, $0x0;
	_ =	sdelay $0x1  }
0x15: {  	v17 =	vor.u32 v0, v14  }
0x16: {  	v22 =	vor.u32 v2, v14  }
0x17: {  	v23 =	vor.u32 v3, v14  }
0x18: {  	v24 =	vor.u32 v4, v14  }
0x19: {  	v25 =	vor.u32 v5, v14  }
0x1a: {  	v59 =	vor.u32 v6, v14;
	[tilespmem:v17+s10+$0x0] =	vst.idx.add.f32.msk $0xffff, v21  }
0x1b: {  	v60 =	vor.u32 v7, v14;
	[tilespmem:v22+s10+$0x0] =	vst.idx.add.f32.msk $0xffff, v20  }
0x1c: {  	v11 =	vbroadcast v11, $0xF;
	v14 =	vor.u32 v8, v14;
	[tilespmem:v23+s10+$0x0] =	vst.idx.add.f32.msk $0xffff, v19  }
0x1d: {  	v61 =	vmov s17;
	[tilespmem:v24+s10+$0x0] =	vst.idx.add.f32.msk $0xffff, v18  }
0x1e: {  	v62 =	vadd.f32 $0.0e+00, v61;
	[tilespmem:v25+s10+$0x0] =	vst.idx.add.f32.msk $0xffff, v16  }
0x1f: {  	[tilespmem:v59+s10+$0x0] =	vst.idx.add.f32.msk $0xffff, v15  }
0x20: {  	v63 =	vbroadcast v62, $0x0;
	[tilespmem:v60+s10+$0x0] =	vst.idx.add.f32.msk $0xffff, v13  }
0x21: {  	[tilespmem:v14+s10+$0x0] =	vst.idx.add.f32.msk $0xffff, v12  }
0x22: {  	[tilespmem:v11+s11+$0x0] =	vst.idx.add.f32.msk $0x1, v63  }
0x23: {  	[hbm4b:s6+s12] =	stream.strided.scatter [tilespmem:s10], [sflag:$0x1], $0x1000, s13, s12, $0x38;
	[tilespmem:$0x10000] =	vst v63  }
0x24: {  	s14 =	sadd.s32 $0x1, s14;
	_ =	swait.ge [sflag:s9], $0x1000  }
0x25: {  	p0 =	sne.s32 s14, s8;
	[sflag:s9] =	ssyncset.done $0x0  }
.Ltmp1:
0x26: {  	[sflag:s9] =	ssyncadd.s32 $0xFFFFF000;
	(pc) =	sbr.rel @!p0 .LBB2_11-.Ltmp1, $4  }
0x27: {  	[hbm4b:s7+s3] =	stream.linear.scatter [tilespmem:s11], [sflag:$0x1], $0x80, $0x38;
	[tilespmem:$0x10000] =	vst v63  }
0x28: {  	_ =	swait.ge [sflag:s9], $0x80  }
0x29: {  	[sflag:s9] =	ssyncset.done $0x0  }
0x2a: {  	[sflag:s9] =	ssyncadd.s32 $0xFFFFFF80  }
.LBB2_1:
0x2b: {  	s15 =	simm.s32 $0x40;
	s16 =	simm.s32 $0x0  }
.LBB2_2:
0x2c: {  	p0 =	sne.s32 s15, $0x3FC0;
	[tilespmem:s16+$0xEF80] =	vst v1;
	s16 =	smov.u32 s15;
	s15 =	sadd.s32 $0x40, s15  }
.Ltmp2:
0x2d: {  	(pc) =	sbr.rel @p0 .LBB2_2-.Ltmp2, $2  }
0x2e: {  	_ =	sdelay $0x2  }
0x2f: {  	s16 =	sshra.s32 s16, $0x2  }
0x30: {  	[tilespmem:s16+$0xEF80] =	vst v1;
	v12 =	vimm.f32 $0.0e+00  }
0x31: {  	[tilespmem:$0xFF80] =	vst v12  }
0x32: {  	s15 =	simm.s32 $0x0;
	s16 =	simm.s32 $0xC800;
	[tilespmem:$0xFF90] =	vst v12  }
0x33: {  	[tilespmem:s16], [sflag:$0x1] =	stream.linear.gather [hbm4b:s5+s15], $0x2710, $0x38;
	[tilespmem:$0x10000] =	vst v63  }
0x34: {  	_ =	swait.ge [sflag:s9], $0x2710  }
0x35: {  	[sflag:s9] =	ssyncset.done $0x0  }
0x36: {  	[sflag:s9] =	ssyncadd.s32 $0xFFFFD8F0  }
0x37: {  	v11 =	vld [tilespmem:$0xC800];
	_ =	sdelay $0x4  }
0x38: {  	(v2sf) =	vpush v11, $0x0;
	_ =	sdelay $0xa  }
.Ltmp3:
0x39: {  	_ = 	snop;
	(pc) =	sbr.rel .LBB2_4-.Ltmp3, $4  }
0x3a: {  	_ = 	snop  }
0x3b: {  	v13 =	vimm.f32 $0.0e+00  }
0x3c: {  	v15 =	vimm.f32 $0.0e+00;
	v16 =	vimm.f32 $0.0e+00;
	v18 =	vimm.f32 $0.0e+00  }
0x3d: {  	s17 =	simm.f32 $0.0e+00;
	v19 =	vimm.f32 $0.0e+00;
	v20 =	vimm.f32 $0.0e+00;
	v21 =	vimm.f32 $0.0e+00;
	s21 =	spop (v2sf)  }
.LBB2_9:
0x3e: {  	p0 =	sne.s32 s19, s18;
	s19 =	simm.f32 $0.0e+00;
	s15 =	sadd.s32 $0x1, s15  }
0x3f: {  	s17 =	smul.f32 s20, s17;
	s19 =	simm.s32 @!p0 $0x3F800000;
	p0 =	sne.s32 s15, $0x19  }
.Ltmp4:
0x40: {  	_ = 	snop;
	(pc) =	sbr.rel @!p0 .LBB2_10-.Ltmp4, $4  }
0x41: {  	v21 =	vmul.f32 s19, v18;
	v20 =	vmul.f32 s19, v19  }
0x42: {  	v19 =	vmul.f32 s19, v15;
	v18 =	vmul.f32 s19, v16;
	s17 =	sadd.f32 $4.000000000e+02, s17  }
0x43: {  	v16 =	vmul.f32 s19, v13;
	v15 =	vmul.f32 s19, v17  }
0x44: {  	s16 =	sadd.s32 $0x190, s16;
	s21 =	smov.u32 s18;
	v13 =	vmul.f32 s19, v14;
	v12 =	vmul.f32 s19, v12;
	s17 =	smul.f32 s17, s19  }
.LBB2_4:
0x45: {  	s18 =	smul.u32 $0x190, s15;
	_ =	sdelay $0x1  }
0x46: {  	s19 =	sadd.s32 s4, s18  }
0x47: {  	s19 =	sshll.u32 s19, $0x4  }
0x48: {  	s19 =	sadd.s32 s1, s19  }
0x49: {  	[tilespmem:s3], [sflag:$0x1] =	stream.linear.gather [hbm4b:s19+s3], $0xC800, $0x38;
	[tilespmem:$0x10000] =	vst v63  }
0x4a: {  	_ =	swait.ge [sflag:s9], $0xC800  }
0x4b: {  	[sflag:s9] =	ssyncset.done $0x0  }
0x4c: {  	[sflag:s9] =	ssyncadd.s32 $0xFFFF3800  }
0x4d: {  	v14 =	vld [tilespmem:s18+$0xC800];
	s18 =	sand.u32 $0x3FF0, s18  }
0x4e: {  	v11 =	vld [tilespmem:s18+$0xC980];
	_ =	sdelay $0x3  }
0x4f: {  	(v2sf) =	vpush v14, $0x0  }
0x50: {  	(v2sf) =	vpush v11, $0xF;
	_ =	sdelay $0xd  }
0x51: {  	s19 =	spop (v2sf)  }
0x52: {  	s18 =	spop (v2sf);
	p0 =	sne.s32 s19, s21  }
0x53: {  	p1 =	seq.s32 @!p0 s19, s18  }
0x54: {  	s20 =	simm.f32 $1.000000000e+00;
	p0 =	por p0, !p1  }
0x55: {  	s20 =	sshll.u32 @p0 s21, $0x7  }
0x56: {  	v14 =	vmov @p0 s20  }
0x57: {  	v14 =	vshrl.u32 @p0 v14, $0x7  }
0x58: {  	v14 =	vshll.u32 @p0 v14, $0x7  }
0x59: {  	v14 =	vbroadcast @p0 v14, $0x0;
	_ =	sdelay $0x1  }
0x5a: {  	v17 =	vor.u32 @p0 v0, v14  }
0x5b: {  	v22 =	vor.u32 @p0 v2, v14  }
0x5c: {  	v23 =	vor.u32 @p0 v3, v14  }
0x5d: {  	v24 =	vor.u32 @p0 v4, v14  }
0x5e: {  	v25 =	vor.u32 @p0 v5, v14  }
0x5f: {  	[tilespmem:v17+s10+$0x0] =	vst.idx.add.f32.msk @p0 $0xffff, v21;
	v17 =	vor.u32 @p0 v6, v14  }
0x60: {  	[tilespmem:v22+s10+$0x0] =	vst.idx.add.f32.msk @p0 $0xffff, v20;
	v22 =	vor.u32 @p0 v7, v14  }
0x61: {  	v14 =	vor.u32 @p0 v8, v14;
	[tilespmem:v23+s10+$0x0] =	vst.idx.add.f32.msk @p0 $0xffff, v19  }
0x62: {  	v23 =	vmov @p0 s21;
	[tilespmem:v24+s10+$0x0] =	vst.idx.add.f32.msk @p0 $0xffff, v18;
	v24 =	vmov @p0 s17  }
0x63: {  	[tilespmem:v25+s10+$0x0] =	vst.idx.add.f32.msk @p0 $0xffff, v16;
	v24 =	vadd.f32 @p0 $0.0e+00, v24  }
0x64: {  	[tilespmem:v17+s10+$0x0] =	vst.idx.add.f32.msk @p0 $0xffff, v15  }
0x65: {  	[tilespmem:v22+s10+$0x0] =	vst.idx.add.f32.msk @p0 $0xffff, v13;
	v17 =	vbroadcast @p0 v24, $0x0  }
0x66: {  	[tilespmem:v14+s10+$0x0] =	vst.idx.add.f32.msk @p0 $0xffff, v12  }
0x67: {  	s23 =	simm.s32 $0x0;
	[tilespmem:v23+s11+$0x0] =	vst.idx.add.f32.msk @p0 $0x1, v17  }
0x68: {  	v23 =	vld [tilespmem:s23+$0x70]  }
0x69: {  	v24 =	vld [tilespmem:s23+$0x0]  }
0x6a: {  	s20 =	simm.f32 @p0 $0.0e+00;
	v25 =	vld [tilespmem:s23+$0x10]  }
0x6b: {  	v26 =	vmul.f32 s20, v21;
	v21 =	vld [tilespmem:s23+$0x20]  }
0x6c: {  	v27 =	vmul.f32 s20, v20;
	v12 =	vmul.f32 s20, v12;
	v20 =	vld [tilespmem:s23+$0x30]  }
0x6d: {  	v16 =	vmul.f32 s20, v16;
	v15 =	vmul.f32 s20, v15;
	v22 =	vld [tilespmem:s23+$0x40]  }
0x6e: {  	v14 =	vmul.f32 s20, v18;
	v17 =	vmul.f32 s20, v19;
	v12 =	vadd.f32 v23, v12;
	v23 =	vld [tilespmem:s23+$0x50]  }
0x6f: {  	s22 =	simm.s32 $0x400;
	s21 =	simm.s32 $0x80;
	v18 =	vmul.f32 s20, v13;
	v13 =	vadd.f32 v24, v26;
	v19 =	vadd.f32 v25, v27;
	v24 =	vld [tilespmem:s23+$0x60]  }
.LBB2_5:
0x70: {  	p0 =	sne.s32 s22, $0x31E00;
	v25 =	vld [tilespmem:s21+$0x70];
	v17 =	vadd.f32 v21, v17  }
0x71: {  	v26 =	vld [tilespmem:s21+$0x0];
	v14 =	vadd.f32 v20, v14  }
0x72: {  	v27 =	vld [tilespmem:s21+$0x10];
	v16 =	vadd.f32 v22, v16  }
.Ltmp5:
0x73: {  	v21 =	vld [tilespmem:s21+$0x20];
	v15 =	vadd.f32 v23, v15;
	(pc) =	sbr.rel @p0 .LBB2_5-.Ltmp5, $4  }
0x74: {  	v20 =	vld [tilespmem:s21+$0x30];
	v18 =	vadd.f32 v24, v18  }
0x75: {  	v22 =	vld [tilespmem:s21+$0x40];
	v12 =	vadd.f32 v25, v12  }
0x76: {  	v13 =	vadd.f32 v26, v13;
	v23 =	vld [tilespmem:s21+$0x50]  }
0x77: {  	v19 =	vadd.f32 v27, v19;
	v24 =	vld [tilespmem:s21+$0x60];
	s21 =	sshra.s32 s22, $0x2;
	s22 =	sadd.s32 $0x200, s22  }
0x78: {  	v25 =	vld [tilespmem:s21+$0x70]  }
0x79: {  	v26 =	vld [tilespmem:s21+$0x0]  }
0x7a: {  	v27 =	vld [tilespmem:s21+$0x10]  }
0x7b: {  	v28 =	vld [tilespmem:s21+$0x20]  }
0x7c: {  	v29 =	vld [tilespmem:s21+$0x30]  }
0x7d: {  	v30 =	vld [tilespmem:s21+$0x40]  }
0x7e: {  	v17 =	vadd.f32 v21, v17;
	v62 =	vld [tilespmem:s21+$0x50]  }
0x7f: {  	v63 =	vld [tilespmem:s21+$0x60];
	p0 =	seq.s32 s19, s18;
	v14 =	vadd.f32 v20, v14;
	v20 =	vadd.f32 v22, v16  }
.Ltmp6:
0x80: {  	v23 =	vadd.f32 v23, v15;
	v24 =	vadd.f32 v24, v18;
	(pc) =	sbr.rel @p0 .LBB2_9-.Ltmp6, $4  }
0x81: {  	v12 =	vadd.f32 v25, v12;
	v18 =	vadd.f32 v26, v13  }
0x82: {  	v19 =	vadd.f32 v27, v19;
	v15 =	vadd.f32 v28, v17  }
0x83: {  	v16 =	vadd.f32 v29, v14;
	v13 =	vadd.f32 v30, v20  }
0x84: {  	v17 =	vadd.f32 v62, v23;
	v14 =	vadd.f32 v63, v24  }
0x85: {  	v20 =	vmov s16;
	_ =	sdelay $0x2  }
0x86: {  	s21 =	simm.s32 $0x0;
	s22 =	simm.s32 $0x400  }
.LBB2_8:
0x87: {  	s23 =	sshra.s32 s21, $0x2  }
0x88: {  	v21 =	vld.idx.msk [tilespmem:v20+s23+$0x0 ss:$0x1], $0xffff;
	_ =	sdelay $0x4  }
0x89: {  	v22 =	vshll.u32 v21, $0x7  }
0x8a: {  	v23 =	vshrl.u32 v22, $0x7  }
0x8b: {  	v23 =	vshll.u32 v23, v9  }
0x8c: {  	v23 =	vbroadcast v23, $0x0;
	_ =	sdelay $0x1  }
0x8d: {  	v24 =	vld [tilespmem:s22+$0xFFFFFC00];
	v25 =	vor.u32 v0, v23;
	_ =	sdelay $0x4  }
0x8e: {  	[tilespmem:v25+s10+$0x0] =	vst.idx.add.f32.msk $0xffff, v24  }
0x8f: {  	v33 =	vor.u32 v2, v23;
	v24 =	vld [tilespmem:s22+$0xFFFFFC10];
	_ =	sdelay $0x4  }
0x90: {  	[tilespmem:v33+s10+$0x0] =	vst.idx.add.f32.msk $0xffff, v24  }
0x91: {  	v34 =	vor.u32 v3, v23;
	v24 =	vld [tilespmem:s22+$0xFFFFFC20];
	_ =	sdelay $0x4  }
0x92: {  	[tilespmem:v34+s10+$0x0] =	vst.idx.add.f32.msk $0xffff, v24  }
0x93: {  	v35 =	vor.u32 v4, v23;
	v24 =	vld [tilespmem:s22+$0xFFFFFC30];
	_ =	sdelay $0x4  }
0x94: {  	[tilespmem:v35+s10+$0x0] =	vst.idx.add.f32.msk $0xffff, v24  }
0x95: {  	v36 =	vor.u32 v5, v23;
	v24 =	vld [tilespmem:s22+$0xFFFFFC40];
	_ =	sdelay $0x4  }
0x96: {  	[tilespmem:v36+s10+$0x0] =	vst.idx.add.f32.msk $0xffff, v24  }
0x97: {  	v37 =	vor.u32 v6, v23;
	v24 =	vld [tilespmem:s22+$0xFFFFFC50];
	_ =	sdelay $0x4  }
0x98: {  	[tilespmem:v37+s10+$0x0] =	vst.idx.add.f32.msk $0xffff, v24  }
0x99: {  	v38 =	vor.u32 v7, v23;
	v24 =	vld [tilespmem:s22+$0xFFFFFC60];
	_ =	sdelay $0x4  }
0x9a: {  	[tilespmem:v38+s10+$0x0] =	vst.idx.add.f32.msk $0xffff, v24  }
0x9b: {  	v39 =	vbroadcast v21, $0x0;
	v23 =	vor.u32 v8, v23;
	v24 =	vld [tilespmem:s22+$0xFFFFFC70]  }
0x9c: {  	v26 =	vbroadcast v22, $0x1;
	_ =	sdelay $0x1  }
0x9d: {  	v26 =	vshrl.u32 v26, $0x7  }
0x9e: {  	v26 =	vshll.u32 v26, v9  }
0x9f: {  	[tilespmem:v23+s10+$0x0] =	vst.idx.add.f32.msk $0xffff, v24;
	v23 =	vbroadcast v26, $0x0  }
0xa0: {  	[tilespmem:v39+s11+$0x0] =	vst.idx.add.f32.msk $0x1, v10  }
0xa1: {  	v24 =	vld [tilespmem:s22+$0xFFFFFC80];
	v40 =	vor.u32 v0, v23;
	_ =	sdelay $0x4  }
0xa2: {  	[tilespmem:v40+s10+$0x0] =	vst.idx.add.f32.msk $0xffff, v24  }
0xa3: {  	v41 =	vor.u32 v2, v23;
	v24 =	vld [tilespmem:s22+$0xFFFFFC90];
	_ =	sdelay $0x4  }
0xa4: {  	[tilespmem:v41+s10+$0x0] =	vst.idx.add.f32.msk $0xffff, v24  }
0xa5: {  	v42 =	vor.u32 v3, v23;
	v24 =	vld [tilespmem:s22+$0xFFFFFCA0];
	_ =	sdelay $0x4  }
0xa6: {  	[tilespmem:v42+s10+$0x0] =	vst.idx.add.f32.msk $0xffff, v24  }
0xa7: {  	v43 =	vor.u32 v4, v23;
	v24 =	vld [tilespmem:s22+$0xFFFFFCB0];
	_ =	sdelay $0x4  }
0xa8: {  	[tilespmem:v43+s10+$0x0] =	vst.idx.add.f32.msk $0xffff, v24  }
0xa9: {  	v44 =	vor.u32 v5, v23;
	v24 =	vld [tilespmem:s22+$0xFFFFFCC0];
	_ =	sdelay $0x4  }
0xaa: {  	[tilespmem:v44+s10+$0x0] =	vst.idx.add.f32.msk $0xffff, v24  }
0xab: {  	v45 =	vor.u32 v6, v23;
	v24 =	vld [tilespmem:s22+$0xFFFFFCD0];
	_ =	sdelay $0x4  }
0xac: {  	[tilespmem:v45+s10+$0x0] =	vst.idx.add.f32.msk $0xffff, v24  }
0xad: {  	v46 =	vor.u32 v7, v23;
	v24 =	vld [tilespmem:s22+$0xFFFFFCE0];
	_ =	sdelay $0x4  }
0xae: {  	[tilespmem:v46+s10+$0x0] =	vst.idx.add.f32.msk $0xffff, v24  }
0xaf: {  	v47 =	vbroadcast v21, $0x1;
	v23 =	vor.u32 v8, v23;
	v24 =	vld [tilespmem:s22+$0xFFFFFCF0]  }
0xb0: {  	v48 =	vbroadcast v22, $0x2;
	_ =	sdelay $0x1  }
0xb1: {  	v26 =	vshrl.u32 v48, $0x7  }
0xb2: {  	v26 =	vshll.u32 v26, v9  }
0xb3: {  	[tilespmem:v23+s10+$0x0] =	vst.idx.add.f32.msk $0xffff, v24;
	v23 =	vbroadcast v26, $0x0  }
0xb4: {  	[tilespmem:v47+s11+$0x0] =	vst.idx.add.f32.msk $0x1, v10  }
0xb5: {  	v24 =	vld [tilespmem:s22+$0xFFFFFD00];
	v49 =	vor.u32 v0, v23;
	_ =	sdelay $0x4  }
0xb6: {  	[tilespmem:v49+s10+$0x0] =	vst.idx.add.f32.msk $0xffff, v24  }
0xb7: {  	v50 =	vor.u32 v2, v23;
	v24 =	vld [tilespmem:s22+$0xFFFFFD10];
	_ =	sdelay $0x4  }
0xb8: {  	[tilespmem:v50+s10+$0x0] =	vst.idx.add.f32.msk $0xffff, v24  }
0xb9: {  	v51 =	vor.u32 v3, v23;
	v24 =	vld [tilespmem:s22+$0xFFFFFD20];
	_ =	sdelay $0x4  }
0xba: {  	[tilespmem:v51+s10+$0x0] =	vst.idx.add.f32.msk $0xffff, v24  }
0xbb: {  	v52 =	vor.u32 v4, v23;
	v24 =	vld [tilespmem:s22+$0xFFFFFD30];
	_ =	sdelay $0x4  }
0xbc: {  	[tilespmem:v52+s10+$0x0] =	vst.idx.add.f32.msk $0xffff, v24  }
0xbd: {  	v53 =	vor.u32 v5, v23;
	v24 =	vld [tilespmem:s22+$0xFFFFFD40];
	_ =	sdelay $0x4  }
0xbe: {  	[tilespmem:v53+s10+$0x0] =	vst.idx.add.f32.msk $0xffff, v24  }
0xbf: {  	v54 =	vor.u32 v6, v23;
	v24 =	vld [tilespmem:s22+$0xFFFFFD50];
	_ =	sdelay $0x4  }
0xc0: {  	[tilespmem:v54+s10+$0x0] =	vst.idx.add.f32.msk $0xffff, v24  }
0xc1: {  	v55 =	vor.u32 v7, v23;
	v24 =	vld [tilespmem:s22+$0xFFFFFD60];
	_ =	sdelay $0x4  }
0xc2: {  	[tilespmem:v55+s10+$0x0] =	vst.idx.add.f32.msk $0xffff, v24  }
0xc3: {  	v56 =	vbroadcast v21, $0x2;
	v23 =	vor.u32 v8, v23;
	v24 =	vld [tilespmem:s22+$0xFFFFFD70]  }
0xc4: {  	v57 =	vbroadcast v22, $0x3;
	_ =	sdelay $0x1  }
0xc5: {  	v26 =	vshrl.u32 v57, $0x7  }
0xc6: {  	v26 =	vshll.u32 v26, v9  }
0xc7: {  	[tilespmem:v23+s10+$0x0] =	vst.idx.add.f32.msk $0xffff, v24;
	v23 =	vbroadcast v26, $0x0  }
0xc8: {  	[tilespmem:v56+s11+$0x0] =	vst.idx.add.f32.msk $0x1, v10  }
0xc9: {  	v24 =	vld [tilespmem:s22+$0xFFFFFD80];
	v58 =	vor.u32 v0, v23;
	_ =	sdelay $0x4  }
0xca: {  	[tilespmem:v58+s10+$0x0] =	vst.idx.add.f32.msk $0xffff, v24  }
0xcb: {  	v59 =	vor.u32 v2, v23;
	v24 =	vld [tilespmem:s22+$0xFFFFFD90];
	_ =	sdelay $0x4  }
0xcc: {  	[tilespmem:v59+s10+$0x0] =	vst.idx.add.f32.msk $0xffff, v24  }
0xcd: {  	v60 =	vor.u32 v3, v23;
	v24 =	vld [tilespmem:s22+$0xFFFFFDA0];
	_ =	sdelay $0x4  }
0xce: {  	[tilespmem:v60+s10+$0x0] =	vst.idx.add.f32.msk $0xffff, v24  }
0xcf: {  	v61 =	vor.u32 v4, v23;
	v24 =	vld [tilespmem:s22+$0xFFFFFDB0];
	_ =	sdelay $0x4  }
0xd0: {  	[tilespmem:v61+s10+$0x0] =	vst.idx.add.f32.msk $0xffff, v24  }
0xd1: {  	v62 =	vor.u32 v5, v23;
	v24 =	vld [tilespmem:s22+$0xFFFFFDC0];
	_ =	sdelay $0x4  }
0xd2: {  	[tilespmem:v62+s10+$0x0] =	vst.idx.add.f32.msk $0xffff, v24  }
0xd3: {  	v63 =	vor.u32 v6, v23;
	v24 =	vld [tilespmem:s22+$0xFFFFFDD0];
	_ =	sdelay $0x4  }
0xd4: {  	[tilespmem:v63+s10+$0x0] =	vst.idx.add.f32.msk $0xffff, v24  }
0xd5: {  	v28 =	vor.u32 v7, v23;
	v24 =	vld [tilespmem:s22+$0xFFFFFDE0];
	_ =	sdelay $0x4  }
0xd6: {  	[tilespmem:v28+s10+$0x0] =	vst.idx.add.f32.msk $0xffff, v24  }
0xd7: {  	v29 =	vbroadcast v21, $0x3;
	v23 =	vor.u32 v8, v23;
	v24 =	vld [tilespmem:s22+$0xFFFFFDF0]  }
0xd8: {  	v30 =	vbroadcast v22, $0x4;
	_ =	sdelay $0x1  }
0xd9: {  	v26 =	vshrl.u32 v30, $0x7  }
0xda: {  	v26 =	vshll.u32 v26, v9  }
0xdb: {  	[tilespmem:v23+s10+$0x0] =	vst.idx.add.f32.msk $0xffff, v24;
	v23 =	vbroadcast v26, $0x0  }
0xdc: {  	[tilespmem:v29+s11+$0x0] =	vst.idx.add.f32.msk $0x1, v10  }
0xdd: {  	v24 =	vld [tilespmem:s22+$0xFFFFFE00];
	v31 =	vor.u32 v0, v23;
	_ =	sdelay $0x4  }
0xde: {  	[tilespmem:v31+s10+$0x0] =	vst.idx.add.f32.msk $0xffff, v24  }
0xdf: {  	v32 =	vor.u32 v2, v23;
	v24 =	vld [tilespmem:s22+$0xFFFFFE10];
	_ =	sdelay $0x4  }
0xe0: {  	[tilespmem:v32+s10+$0x0] =	vst.idx.add.f32.msk $0xffff, v24  }
0xe1: {  	v33 =	vor.u32 v3, v23;
	v24 =	vld [tilespmem:s22+$0xFFFFFE20];
	_ =	sdelay $0x4  }
0xe2: {  	[tilespmem:v33+s10+$0x0] =	vst.idx.add.f32.msk $0xffff, v24  }
0xe3: {  	v34 =	vor.u32 v4, v23;
	v24 =	vld [tilespmem:s22+$0xFFFFFE30];
	_ =	sdelay $0x4  }
0xe4: {  	[tilespmem:v34+s10+$0x0] =	vst.idx.add.f32.msk $0xffff, v24  }
0xe5: {  	v35 =	vor.u32 v5, v23;
	v24 =	vld [tilespmem:s22+$0xFFFFFE40];
	_ =	sdelay $0x4  }
0xe6: {  	[tilespmem:v35+s10+$0x0] =	vst.idx.add.f32.msk $0xffff, v24  }
0xe7: {  	v36 =	vor.u32 v6, v23;
	v24 =	vld [tilespmem:s22+$0xFFFFFE50];
	_ =	sdelay $0x4  }
0xe8: {  	[tilespmem:v36+s10+$0x0] =	vst.idx.add.f32.msk $0xffff, v24  }
0xe9: {  	v37 =	vor.u32 v7, v23;
	v24 =	vld [tilespmem:s22+$0xFFFFFE60];
	_ =	sdelay $0x4  }
0xea: {  	[tilespmem:v37+s10+$0x0] =	vst.idx.add.f32.msk $0xffff, v24  }
0xeb: {  	v38 =	vbroadcast v21, $0x4;
	v23 =	vor.u32 v8, v23;
	v24 =	vld [tilespmem:s22+$0xFFFFFE70]  }
0xec: {  	v39 =	vbroadcast v22, $0x5;
	_ =	sdelay $0x1  }
0xed: {  	v26 =	vshrl.u32 v39, $0x7  }
0xee: {  	v26 =	vshll.u32 v26, v9  }
0xef: {  	[tilespmem:v23+s10+$0x0] =	vst.idx.add.f32.msk $0xffff, v24;
	v23 =	vbroadcast v26, $0x0  }
0xf0: {  	[tilespmem:v38+s11+$0x0] =	vst.idx.add.f32.msk $0x1, v10  }
0xf1: {  	v24 =	vld [tilespmem:s22+$0xFFFFFE80];
	v40 =	vor.u32 v0, v23;
	_ =	sdelay $0x4  }
0xf2: {  	[tilespmem:v40+s10+$0x0] =	vst.idx.add.f32.msk $0xffff, v24  }
0xf3: {  	v41 =	vor.u32 v2, v23;
	v24 =	vld [tilespmem:s22+$0xFFFFFE90];
	_ =	sdelay $0x4  }
0xf4: {  	[tilespmem:v41+s10+$0x0] =	vst.idx.add.f32.msk $0xffff, v24  }
0xf5: {  	v42 =	vor.u32 v3, v23;
	v24 =	vld [tilespmem:s22+$0xFFFFFEA0];
	_ =	sdelay $0x4  }
0xf6: {  	[tilespmem:v42+s10+$0x0] =	vst.idx.add.f32.msk $0xffff, v24  }
0xf7: {  	v43 =	vor.u32 v4, v23;
	v24 =	vld [tilespmem:s22+$0xFFFFFEB0];
	_ =	sdelay $0x4  }
0xf8: {  	[tilespmem:v43+s10+$0x0] =	vst.idx.add.f32.msk $0xffff, v24  }
0xf9: {  	v44 =	vor.u32 v5, v23;
	v24 =	vld [tilespmem:s22+$0xFFFFFEC0];
	_ =	sdelay $0x4  }
0xfa: {  	[tilespmem:v44+s10+$0x0] =	vst.idx.add.f32.msk $0xffff, v24  }
0xfb: {  	v45 =	vor.u32 v6, v23;
	v24 =	vld [tilespmem:s22+$0xFFFFFED0];
	_ =	sdelay $0x4  }
0xfc: {  	[tilespmem:v45+s10+$0x0] =	vst.idx.add.f32.msk $0xffff, v24  }
0xfd: {  	v46 =	vor.u32 v7, v23;
	v24 =	vld [tilespmem:s22+$0xFFFFFEE0];
	_ =	sdelay $0x4  }
0xfe: {  	[tilespmem:v46+s10+$0x0] =	vst.idx.add.f32.msk $0xffff, v24  }
0xff: {  	v47 =	vbroadcast v21, $0x5;
	v23 =	vor.u32 v8, v23;
	v24 =	vld [tilespmem:s22+$0xFFFFFEF0]  }
0x100: {  	v48 =	vbroadcast v22, $0x6;
	_ =	sdelay $0x1  }
0x101: {  	v26 =	vshrl.u32 v48, $0x7  }
0x102: {  	v26 =	vshll.u32 v26, v9  }
0x103: {  	[tilespmem:v23+s10+$0x0] =	vst.idx.add.f32.msk $0xffff, v24;
	v23 =	vbroadcast v26, $0x0  }
0x104: {  	[tilespmem:v47+s11+$0x0] =	vst.idx.add.f32.msk $0x1, v10  }
0x105: {  	v24 =	vld [tilespmem:s22+$0xFFFFFF00];
	v49 =	vor.u32 v0, v23;
	_ =	sdelay $0x4  }
0x106: {  	[tilespmem:v49+s10+$0x0] =	vst.idx.add.f32.msk $0xffff, v24  }
0x107: {  	v50 =	vor.u32 v2, v23;
	v24 =	vld [tilespmem:s22+$0xFFFFFF10];
	_ =	sdelay $0x4  }
0x108: {  	[tilespmem:v50+s10+$0x0] =	vst.idx.add.f32.msk $0xffff, v24  }
0x109: {  	v51 =	vor.u32 v3, v23;
	v24 =	vld [tilespmem:s22+$0xFFFFFF20];
	_ =	sdelay $0x4  }
0x10a: {  	[tilespmem:v51+s10+$0x0] =	vst.idx.add.f32.msk $0xffff, v24  }
0x10b: {  	v52 =	vor.u32 v4, v23;
	v24 =	vld [tilespmem:s22+$0xFFFFFF30];
	_ =	sdelay $0x4  }
0x10c: {  	[tilespmem:v52+s10+$0x0] =	vst.idx.add.f32.msk $0xffff, v24  }
0x10d: {  	v53 =	vor.u32 v5, v23;
	v24 =	vld [tilespmem:s22+$0xFFFFFF40];
	_ =	sdelay $0x4  }
0x10e: {  	[tilespmem:v53+s10+$0x0] =	vst.idx.add.f32.msk $0xffff, v24  }
0x10f: {  	v54 =	vor.u32 v6, v23;
	v24 =	vld [tilespmem:s22+$0xFFFFFF50];
	_ =	sdelay $0x4  }
0x110: {  	[tilespmem:v54+s10+$0x0] =	vst.idx.add.f32.msk $0xffff, v24  }
0x111: {  	v55 =	vor.u32 v7, v23;
	v24 =	vld [tilespmem:s22+$0xFFFFFF60];
	_ =	sdelay $0x4  }
0x112: {  	[tilespmem:v55+s10+$0x0] =	vst.idx.add.f32.msk $0xffff, v24  }
0x113: {  	v56 =	vbroadcast v21, $0x6;
	v23 =	vor.u32 v8, v23;
	v24 =	vld [tilespmem:s22+$0xFFFFFF70]  }
0x114: {  	v57 =	vbroadcast v22, $0x7;
	_ =	sdelay $0x1  }
0x115: {  	v26 =	vshrl.u32 v57, $0x7  }
0x116: {  	v26 =	vshll.u32 v26, v9  }
0x117: {  	[tilespmem:v23+s10+$0x0] =	vst.idx.add.f32.msk $0xffff, v24;
	v23 =	vbroadcast v26, $0x0  }
0x118: {  	[tilespmem:v56+s11+$0x0] =	vst.idx.add.f32.msk $0x1, v10  }
0x119: {  	v24 =	vld [tilespmem:s22+$0xFFFFFF80];
	v58 =	vor.u32 v0, v23;
	_ =	sdelay $0x4  }
0x11a: {  	[tilespmem:v58+s10+$0x0] =	vst.idx.add.f32.msk $0xffff, v24  }
0x11b: {  	v59 =	vor.u32 v2, v23;
	v24 =	vld [tilespmem:s22+$0xFFFFFF90];
	_ =	sdelay $0x4  }
0x11c: {  	[tilespmem:v59+s10+$0x0] =	vst.idx.add.f32.msk $0xffff, v24  }
0x11d: {  	v60 =	vor.u32 v3, v23;
	v24 =	vld [tilespmem:s22+$0xFFFFFFA0];
	_ =	sdelay $0x4  }
0x11e: {  	[tilespmem:v60+s10+$0x0] =	vst.idx.add.f32.msk $0xffff, v24  }
0x11f: {  	v61 =	vor.u32 v4, v23;
	v24 =	vld [tilespmem:s22+$0xFFFFFFB0];
	_ =	sdelay $0x4  }
0x120: {  	[tilespmem:v61+s10+$0x0] =	vst.idx.add.f32.msk $0xffff, v24  }
0x121: {  	v62 =	vor.u32 v5, v23;
	v24 =	vld [tilespmem:s22+$0xFFFFFFC0];
	_ =	sdelay $0x4  }
0x122: {  	[tilespmem:v62+s10+$0x0] =	vst.idx.add.f32.msk $0xffff, v24  }
0x123: {  	v63 =	vor.u32 v6, v23;
	v24 =	vld [tilespmem:s22+$0xFFFFFFD0];
	_ =	sdelay $0x4  }
0x124: {  	[tilespmem:v63+s10+$0x0] =	vst.idx.add.f32.msk $0xffff, v24  }
0x125: {  	v28 =	vor.u32 v7, v23;
	v24 =	vld [tilespmem:s22+$0xFFFFFFE0];
	_ =	sdelay $0x4  }
0x126: {  	[tilespmem:v28+s10+$0x0] =	vst.idx.add.f32.msk $0xffff, v24  }
0x127: {  	v29 =	vbroadcast v21, $0x7;
	v23 =	vor.u32 v8, v23;
	v24 =	vld [tilespmem:s22+$0xFFFFFFF0]  }
0x128: {  	v30 =	vbroadcast v22, $0x8;
	_ =	sdelay $0x1  }
0x129: {  	v26 =	vshrl.u32 v30, $0x7  }
0x12a: {  	v26 =	vshll.u32 v26, v9  }
0x12b: {  	[tilespmem:v23+s10+$0x0] =	vst.idx.add.f32.msk $0xffff, v24;
	v23 =	vbroadcast v26, $0x0  }
0x12c: {  	[tilespmem:v29+s11+$0x0] =	vst.idx.add.f32.msk $0x1, v10  }
0x12d: {  	v24 =	vld [tilespmem:s22+$0x0];
	v31 =	vor.u32 v0, v23;
	_ =	sdelay $0x4  }
0x12e: {  	[tilespmem:v31+s10+$0x0] =	vst.idx.add.f32.msk $0xffff, v24  }
0x12f: {  	v32 =	vor.u32 v2, v23;
	v24 =	vld [tilespmem:s22+$0x10];
	_ =	sdelay $0x4  }
0x130: {  	[tilespmem:v32+s10+$0x0] =	vst.idx.add.f32.msk $0xffff, v24  }
0x131: {  	v33 =	vor.u32 v3, v23;
	v24 =	vld [tilespmem:s22+$0x20];
	_ =	sdelay $0x4  }
0x132: {  	[tilespmem:v33+s10+$0x0] =	vst.idx.add.f32.msk $0xffff, v24  }
0x133: {  	v34 =	vor.u32 v4, v23;
	v24 =	vld [tilespmem:s22+$0x30];
	_ =	sdelay $0x4  }
0x134: {  	[tilespmem:v34+s10+$0x0] =	vst.idx.add.f32.msk $0xffff, v24  }
0x135: {  	v35 =	vor.u32 v5, v23;
	v24 =	vld [tilespmem:s22+$0x40];
	_ =	sdelay $0x4  }
0x136: {  	[tilespmem:v35+s10+$0x0] =	vst.idx.add.f32.msk $0xffff, v24  }
0x137: {  	v36 =	vor.u32 v6, v23;
	v24 =	vld [tilespmem:s22+$0x50];
	_ =	sdelay $0x4  }
0x138: {  	[tilespmem:v36+s10+$0x0] =	vst.idx.add.f32.msk $0xffff, v24  }
0x139: {  	v37 =	vor.u32 v7, v23;
	v24 =	vld [tilespmem:s22+$0x60];
	_ =	sdelay $0x4  }
0x13a: {  	[tilespmem:v37+s10+$0x0] =	vst.idx.add.f32.msk $0xffff, v24  }
0x13b: {  	v38 =	vbroadcast v21, $0x8;
	v23 =	vor.u32 v8, v23;
	v24 =	vld [tilespmem:s22+$0x70]  }
0x13c: {  	v39 =	vbroadcast v22, $0x9;
	_ =	sdelay $0x1  }
0x13d: {  	v26 =	vshrl.u32 v39, $0x7  }
0x13e: {  	v26 =	vshll.u32 v26, v9  }
0x13f: {  	[tilespmem:v23+s10+$0x0] =	vst.idx.add.f32.msk $0xffff, v24;
	v23 =	vbroadcast v26, $0x0  }
0x140: {  	[tilespmem:v38+s11+$0x0] =	vst.idx.add.f32.msk $0x1, v10  }
0x141: {  	v24 =	vld [tilespmem:s22+$0x80];
	v40 =	vor.u32 v0, v23;
	_ =	sdelay $0x4  }
0x142: {  	[tilespmem:v40+s10+$0x0] =	vst.idx.add.f32.msk $0xffff, v24  }
0x143: {  	v41 =	vor.u32 v2, v23;
	v24 =	vld [tilespmem:s22+$0x90];
	_ =	sdelay $0x4  }
0x144: {  	[tilespmem:v41+s10+$0x0] =	vst.idx.add.f32.msk $0xffff, v24  }
0x145: {  	v42 =	vor.u32 v3, v23;
	v24 =	vld [tilespmem:s22+$0xA0];
	_ =	sdelay $0x4  }
0x146: {  	[tilespmem:v42+s10+$0x0] =	vst.idx.add.f32.msk $0xffff, v24  }
0x147: {  	v43 =	vor.u32 v4, v23;
	v24 =	vld [tilespmem:s22+$0xB0];
	_ =	sdelay $0x4  }
0x148: {  	[tilespmem:v43+s10+$0x0] =	vst.idx.add.f32.msk $0xffff, v24  }
0x149: {  	v44 =	vor.u32 v5, v23;
	v24 =	vld [tilespmem:s22+$0xC0];
	_ =	sdelay $0x4  }
0x14a: {  	[tilespmem:v44+s10+$0x0] =	vst.idx.add.f32.msk $0xffff, v24  }
0x14b: {  	v45 =	vor.u32 v6, v23;
	v24 =	vld [tilespmem:s22+$0xD0];
	_ =	sdelay $0x4  }
0x14c: {  	[tilespmem:v45+s10+$0x0] =	vst.idx.add.f32.msk $0xffff, v24  }
0x14d: {  	v46 =	vor.u32 v7, v23;
	v24 =	vld [tilespmem:s22+$0xE0];
	_ =	sdelay $0x4  }
0x14e: {  	[tilespmem:v46+s10+$0x0] =	vst.idx.add.f32.msk $0xffff, v24  }
0x14f: {  	v47 =	vbroadcast v21, $0x9;
	v23 =	vor.u32 v8, v23;
	v24 =	vld [tilespmem:s22+$0xF0]  }
0x150: {  	v48 =	vbroadcast v22, $0xA;
	_ =	sdelay $0x1  }
0x151: {  	v26 =	vshrl.u32 v48, $0x7  }
0x152: {  	v26 =	vshll.u32 v26, v9  }
0x153: {  	[tilespmem:v23+s10+$0x0] =	vst.idx.add.f32.msk $0xffff, v24;
	v23 =	vbroadcast v26, $0x0  }
0x154: {  	[tilespmem:v47+s11+$0x0] =	vst.idx.add.f32.msk $0x1, v10  }
0x155: {  	v24 =	vld [tilespmem:s22+$0x100];
	v49 =	vor.u32 v0, v23;
	_ =	sdelay $0x4  }
0x156: {  	[tilespmem:v49+s10+$0x0] =	vst.idx.add.f32.msk $0xffff, v24  }
0x157: {  	v50 =	vor.u32 v2, v23;
	v24 =	vld [tilespmem:s22+$0x110];
	_ =	sdelay $0x4  }
0x158: {  	[tilespmem:v50+s10+$0x0] =	vst.idx.add.f32.msk $0xffff, v24  }
0x159: {  	v51 =	vor.u32 v3, v23;
	v24 =	vld [tilespmem:s22+$0x120];
	_ =	sdelay $0x4  }
0x15a: {  	[tilespmem:v51+s10+$0x0] =	vst.idx.add.f32.msk $0xffff, v24  }
0x15b: {  	v52 =	vor.u32 v4, v23;
	v24 =	vld [tilespmem:s22+$0x130];
	_ =	sdelay $0x4  }
0x15c: {  	[tilespmem:v52+s10+$0x0] =	vst.idx.add.f32.msk $0xffff, v24  }
0x15d: {  	v53 =	vor.u32 v5, v23;
	v24 =	vld [tilespmem:s22+$0x140];
	_ =	sdelay $0x4  }
0x15e: {  	[tilespmem:v53+s10+$0x0] =	vst.idx.add.f32.msk $0xffff, v24  }
0x15f: {  	v54 =	vor.u32 v6, v23;
	v24 =	vld [tilespmem:s22+$0x150];
	_ =	sdelay $0x4  }
0x160: {  	[tilespmem:v54+s10+$0x0] =	vst.idx.add.f32.msk $0xffff, v24  }
0x161: {  	v55 =	vor.u32 v7, v23;
	v24 =	vld [tilespmem:s22+$0x160];
	_ =	sdelay $0x4  }
0x162: {  	[tilespmem:v55+s10+$0x0] =	vst.idx.add.f32.msk $0xffff, v24  }
0x163: {  	v56 =	vbroadcast v21, $0xA;
	v23 =	vor.u32 v8, v23;
	v24 =	vld [tilespmem:s22+$0x170]  }
0x164: {  	v57 =	vbroadcast v22, $0xB;
	_ =	sdelay $0x1  }
0x165: {  	v26 =	vshrl.u32 v57, $0x7  }
0x166: {  	v26 =	vshll.u32 v26, v9  }
0x167: {  	[tilespmem:v23+s10+$0x0] =	vst.idx.add.f32.msk $0xffff, v24;
	v23 =	vbroadcast v26, $0x0  }
0x168: {  	[tilespmem:v56+s11+$0x0] =	vst.idx.add.f32.msk $0x1, v10  }
0x169: {  	v24 =	vld [tilespmem:s22+$0x180];
	v58 =	vor.u32 v0, v23;
	_ =	sdelay $0x4  }
0x16a: {  	[tilespmem:v58+s10+$0x0] =	vst.idx.add.f32.msk $0xffff, v24  }
0x16b: {  	v59 =	vor.u32 v2, v23;
	v24 =	vld [tilespmem:s22+$0x190];
	_ =	sdelay $0x4  }
0x16c: {  	[tilespmem:v59+s10+$0x0] =	vst.idx.add.f32.msk $0xffff, v24  }
0x16d: {  	v60 =	vor.u32 v3, v23;
	v24 =	vld [tilespmem:s22+$0x1A0];
	_ =	sdelay $0x4  }
0x16e: {  	[tilespmem:v60+s10+$0x0] =	vst.idx.add.f32.msk $0xffff, v24  }
0x16f: {  	v61 =	vor.u32 v4, v23;
	v24 =	vld [tilespmem:s22+$0x1B0];
	_ =	sdelay $0x4  }
0x170: {  	[tilespmem:v61+s10+$0x0] =	vst.idx.add.f32.msk $0xffff, v24  }
0x171: {  	v62 =	vor.u32 v5, v23;
	v24 =	vld [tilespmem:s22+$0x1C0];
	_ =	sdelay $0x4  }
0x172: {  	[tilespmem:v62+s10+$0x0] =	vst.idx.add.f32.msk $0xffff, v24  }
0x173: {  	v63 =	vor.u32 v6, v23;
	v24 =	vld [tilespmem:s22+$0x1D0];
	_ =	sdelay $0x4  }
0x174: {  	[tilespmem:v63+s10+$0x0] =	vst.idx.add.f32.msk $0xffff, v24  }
0x175: {  	v28 =	vor.u32 v7, v23;
	v24 =	vld [tilespmem:s22+$0x1E0];
	_ =	sdelay $0x4  }
0x176: {  	[tilespmem:v28+s10+$0x0] =	vst.idx.add.f32.msk $0xffff, v24  }
0x177: {  	v29 =	vbroadcast v21, $0xB;
	v23 =	vor.u32 v8, v23;
	v24 =	vld [tilespmem:s22+$0x1F0]  }
0x178: {  	v30 =	vbroadcast v22, $0xC;
	_ =	sdelay $0x1  }
0x179: {  	v26 =	vshrl.u32 v30, $0x7  }
0x17a: {  	v26 =	vshll.u32 v26, v9  }
0x17b: {  	[tilespmem:v23+s10+$0x0] =	vst.idx.add.f32.msk $0xffff, v24;
	v23 =	vbroadcast v26, $0x0  }
0x17c: {  	[tilespmem:v29+s11+$0x0] =	vst.idx.add.f32.msk $0x1, v10  }
0x17d: {  	v24 =	vld [tilespmem:s22+$0x200];
	v31 =	vor.u32 v0, v23;
	_ =	sdelay $0x4  }
0x17e: {  	[tilespmem:v31+s10+$0x0] =	vst.idx.add.f32.msk $0xffff, v24  }
0x17f: {  	v32 =	vor.u32 v2, v23;
	v24 =	vld [tilespmem:s22+$0x210];
	_ =	sdelay $0x4  }
0x180: {  	[tilespmem:v32+s10+$0x0] =	vst.idx.add.f32.msk $0xffff, v24  }
0x181: {  	v33 =	vor.u32 v3, v23;
	v24 =	vld [tilespmem:s22+$0x220];
	_ =	sdelay $0x4  }
0x182: {  	[tilespmem:v33+s10+$0x0] =	vst.idx.add.f32.msk $0xffff, v24  }
0x183: {  	v34 =	vor.u32 v4, v23;
	v24 =	vld [tilespmem:s22+$0x230];
	_ =	sdelay $0x4  }
0x184: {  	[tilespmem:v34+s10+$0x0] =	vst.idx.add.f32.msk $0xffff, v24  }
0x185: {  	v35 =	vor.u32 v5, v23;
	v24 =	vld [tilespmem:s22+$0x240];
	_ =	sdelay $0x4  }
0x186: {  	[tilespmem:v35+s10+$0x0] =	vst.idx.add.f32.msk $0xffff, v24  }
0x187: {  	v36 =	vor.u32 v6, v23;
	v24 =	vld [tilespmem:s22+$0x250];
	_ =	sdelay $0x4  }
0x188: {  	[tilespmem:v36+s10+$0x0] =	vst.idx.add.f32.msk $0xffff, v24  }
0x189: {  	v37 =	vor.u32 v7, v23;
	v24 =	vld [tilespmem:s22+$0x260];
	_ =	sdelay $0x4  }
0x18a: {  	[tilespmem:v37+s10+$0x0] =	vst.idx.add.f32.msk $0xffff, v24  }
0x18b: {  	v38 =	vbroadcast v21, $0xC;
	v23 =	vor.u32 v8, v23;
	v24 =	vld [tilespmem:s22+$0x270]  }
0x18c: {  	v39 =	vbroadcast v22, $0xD;
	_ =	sdelay $0x1  }
0x18d: {  	v26 =	vshrl.u32 v39, $0x7  }
0x18e: {  	v26 =	vshll.u32 v26, v9  }
0x18f: {  	[tilespmem:v23+s10+$0x0] =	vst.idx.add.f32.msk $0xffff, v24;
	v23 =	vbroadcast v26, $0x0  }
0x190: {  	[tilespmem:v38+s11+$0x0] =	vst.idx.add.f32.msk $0x1, v10  }
0x191: {  	v24 =	vld [tilespmem:s22+$0x280];
	v40 =	vor.u32 v0, v23;
	_ =	sdelay $0x4  }
0x192: {  	[tilespmem:v40+s10+$0x0] =	vst.idx.add.f32.msk $0xffff, v24  }
0x193: {  	v41 =	vor.u32 v2, v23;
	v24 =	vld [tilespmem:s22+$0x290];
	_ =	sdelay $0x4  }
0x194: {  	[tilespmem:v41+s10+$0x0] =	vst.idx.add.f32.msk $0xffff, v24  }
0x195: {  	v42 =	vor.u32 v3, v23;
	v24 =	vld [tilespmem:s22+$0x2A0];
	_ =	sdelay $0x4  }
0x196: {  	[tilespmem:v42+s10+$0x0] =	vst.idx.add.f32.msk $0xffff, v24  }
0x197: {  	v43 =	vor.u32 v4, v23;
	v24 =	vld [tilespmem:s22+$0x2B0];
	_ =	sdelay $0x4  }
0x198: {  	[tilespmem:v43+s10+$0x0] =	vst.idx.add.f32.msk $0xffff, v24  }
0x199: {  	v44 =	vor.u32 v5, v23;
	v24 =	vld [tilespmem:s22+$0x2C0];
	_ =	sdelay $0x4  }
0x19a: {  	[tilespmem:v44+s10+$0x0] =	vst.idx.add.f32.msk $0xffff, v24  }
0x19b: {  	v45 =	vor.u32 v6, v23;
	v24 =	vld [tilespmem:s22+$0x2D0];
	_ =	sdelay $0x4  }
0x19c: {  	[tilespmem:v45+s10+$0x0] =	vst.idx.add.f32.msk $0xffff, v24  }
0x19d: {  	v46 =	vor.u32 v7, v23;
	v24 =	vld [tilespmem:s22+$0x2E0];
	_ =	sdelay $0x4  }
0x19e: {  	[tilespmem:v46+s10+$0x0] =	vst.idx.add.f32.msk $0xffff, v24  }
0x19f: {  	v47 =	vbroadcast v21, $0xD;
	v23 =	vor.u32 v8, v23;
	v24 =	vld [tilespmem:s22+$0x2F0]  }
0x1a0: {  	v48 =	vbroadcast v22, $0xE;
	_ =	sdelay $0x1  }
0x1a1: {  	v26 =	vshrl.u32 v48, $0x7  }
0x1a2: {  	v26 =	vshll.u32 v26, v9  }
0x1a3: {  	[tilespmem:v23+s10+$0x0] =	vst.idx.add.f32.msk $0xffff, v24;
	v23 =	vbroadcast v26, $0x0  }
0x1a4: {  	[tilespmem:v47+s11+$0x0] =	vst.idx.add.f32.msk $0x1, v10  }
0x1a5: {  	v24 =	vld [tilespmem:s22+$0x300];
	v49 =	vor.u32 v0, v23;
	_ =	sdelay $0x4  }
0x1a6: {  	[tilespmem:v49+s10+$0x0] =	vst.idx.add.f32.msk $0xffff, v24  }
0x1a7: {  	v50 =	vor.u32 v2, v23;
	v24 =	vld [tilespmem:s22+$0x310];
	_ =	sdelay $0x4  }
0x1a8: {  	[tilespmem:v50+s10+$0x0] =	vst.idx.add.f32.msk $0xffff, v24  }
0x1a9: {  	v51 =	vor.u32 v3, v23;
	v24 =	vld [tilespmem:s22+$0x320];
	_ =	sdelay $0x4  }
0x1aa: {  	[tilespmem:v51+s10+$0x0] =	vst.idx.add.f32.msk $0xffff, v24  }
0x1ab: {  	v52 =	vor.u32 v4, v23;
	v24 =	vld [tilespmem:s22+$0x330];
	_ =	sdelay $0x4  }
0x1ac: {  	[tilespmem:v52+s10+$0x0] =	vst.idx.add.f32.msk $0xffff, v24  }
0x1ad: {  	v53 =	vor.u32 v5, v23;
	v24 =	vld [tilespmem:s22+$0x340];
	_ =	sdelay $0x4  }
0x1ae: {  	[tilespmem:v53+s10+$0x0] =	vst.idx.add.f32.msk $0xffff, v24  }
0x1af: {  	v54 =	vor.u32 v6, v23;
	v24 =	vld [tilespmem:s22+$0x350];
	_ =	sdelay $0x4  }
0x1b0: {  	[tilespmem:v54+s10+$0x0] =	vst.idx.add.f32.msk $0xffff, v24  }
0x1b1: {  	v55 =	vor.u32 v7, v23;
	v24 =	vld [tilespmem:s22+$0x360];
	_ =	sdelay $0x4  }
0x1b2: {  	[tilespmem:v55+s10+$0x0] =	vst.idx.add.f32.msk $0xffff, v24  }
0x1b3: {  	v56 =	vbroadcast v21, $0xE;
	v23 =	vor.u32 v8, v23;
	v24 =	vld [tilespmem:s22+$0x370]  }
0x1b4: {  	v22 =	vbroadcast v22, $0xF;
	_ =	sdelay $0x1  }
0x1b5: {  	v22 =	vshrl.u32 v22, $0x7  }
0x1b6: {  	v22 =	vshll.u32 v22, v9  }
0x1b7: {  	v22 =	vbroadcast v22, $0x0;
	[tilespmem:v23+s10+$0x0] =	vst.idx.add.f32.msk $0xffff, v24  }
0x1b8: {  	[tilespmem:v56+s11+$0x0] =	vst.idx.add.f32.msk $0x1, v10  }
0x1b9: {  	v57 =	vor.u32 v0, v22;
	v23 =	vld [tilespmem:s22+$0x380];
	_ =	sdelay $0x4  }
0x1ba: {  	[tilespmem:v57+s10+$0x0] =	vst.idx.add.f32.msk $0xffff, v23  }
0x1bb: {  	v58 =	vor.u32 v2, v22;
	v23 =	vld [tilespmem:s22+$0x390];
	_ =	sdelay $0x4  }
0x1bc: {  	[tilespmem:v58+s10+$0x0] =	vst.idx.add.f32.msk $0xffff, v23  }
0x1bd: {  	v59 =	vor.u32 v3, v22;
	v23 =	vld [tilespmem:s22+$0x3A0];
	_ =	sdelay $0x4  }
0x1be: {  	[tilespmem:v59+s10+$0x0] =	vst.idx.add.f32.msk $0xffff, v23  }
0x1bf: {  	v60 =	vor.u32 v4, v22;
	v23 =	vld [tilespmem:s22+$0x3B0];
	_ =	sdelay $0x4  }
0x1c0: {  	[tilespmem:v60+s10+$0x0] =	vst.idx.add.f32.msk $0xffff, v23  }
0x1c1: {  	v61 =	vor.u32 v5, v22;
	v23 =	vld [tilespmem:s22+$0x3C0];
	_ =	sdelay $0x4  }
0x1c2: {  	[tilespmem:v61+s10+$0x0] =	vst.idx.add.f32.msk $0xffff, v23  }
0x1c3: {  	v62 =	vor.u32 v6, v22;
	v23 =	vld [tilespmem:s22+$0x3D0];
	_ =	sdelay $0x4  }
0x1c4: {  	[tilespmem:v62+s10+$0x0] =	vst.idx.add.f32.msk $0xffff, v23  }
0x1c5: {  	v63 =	vor.u32 v7, v22;
	v23 =	vld [tilespmem:s22+$0x3E0];
	_ =	sdelay $0x4  }
0x1c6: {  	[tilespmem:v63+s10+$0x0] =	vst.idx.add.f32.msk $0xffff, v23  }
0x1c7: {  	v21 =	vbroadcast v21, $0xF;
	v22 =	vor.u32 v8, v22;
	v23 =	vld [tilespmem:s22+$0x3F0]  }
0x1c8: {  	p0 =	sne.s32 s21, $0x600  }
.Ltmp7:
0x1c9: {  	_ = 	snop;
	(pc) =	sbr.rel @p0 .LBB2_8-.Ltmp7, $3  }
0x1ca: {  	_ =	sdelay $0x1  }
0x1cb: {  	[tilespmem:v22+s10+$0x0] =	vst.idx.add.f32.msk $0xffff, v23  }
0x1cc: {  	s21 =	sadd.s32 $0x40, s21;
	s22 =	sadd.s32 $0x800, s22;
	[tilespmem:v21+s11+$0x0] =	vst.idx.add.f32.msk $0x1, v10  }
.Ltmp8:
0x1cd: {  	_ = 	snop;
	(pc) =	sbr.rel .LBB2_9-.Ltmp8, $1  }
0x1ce: {  	_ =	sdelay $0x3  }
.LBB2_11:
0x1cf: {  	_ =	sfence.sel $0x180000  }
0x1d0: {  	[bflag:$0x0] =	sbarrier.arrive $0xFFFF  }
0x1d1: {  	p0 =	sne.s32 s0, $0x0;
	_ =	strace $0x90000047  }
0x1d2: {  	s0 =	sadd.s32 @!p0 $0x100000, s2;
	[bflag:$0x2] =	sbarrier.arrive $0xFFFF  }
0x1d3: {  	[sflag:s0] =	ssyncadd.tile.s32 @!p0 $0x1;
	_ =	shalt  }
.Lfunc_end2:
_tile_overlayer_lowered:
.L_overlay_start_2:
0x1d4: {  	(tag) =	ssettag $0x2  }
0x1d5: {  	s0 =	rddreg [dreg:$0x0];
	s2 =	stileid.u32  }
0x1d6: {  	s1 =	rddreg [dreg:$0x1];
	p0 =	sne.s32 s2, $0x0  }
0x1d7: {  	s3 =	rddreg [dreg:$0x2];
	[bflag:$0x3] =	sbarrier.arrive $0xFFFF;
	s2 =	simm.s32 @!p0 $0x1C01  }
0x1d8: {  	[timem:s3], [sflag:s2] =	dma.local @!p0 [hbm:s0], s1  }
0x1d9: {  	s0 =	simm.s32 @!p0 $0x1  }
0x1da: {  	_ =	swait.ge @!p0 [sflag:s0], s1  }
0x1db: {  	s1 =	ssub.s32 @!p0 $0x0, s1;
	[sflag:s0] =	ssyncset.done @!p0 $0x0  }
0x1dc: {  	[sflag:s0] =	ssyncadd.s32 @!p0 s1  }
0x1dd: {  	[bflag:$0x3] =	sbarrier.arrive $0xFFFF  }
0x1de: {  	_ =	shalt  }

</sc_bundles>
